<compile_context>
chip_gen: v7x
topology: tpu7x:2x2x1
jax: 0.10.2.dev20260603
libtpu: 0.0.44.dev20260713+nightly
codegen_flags: <defaults>
</compile_context>

<pallas_src>
import jax
import jax.numpy as jnp
from jax import lax
from jax.experimental import pallas as pl
from jax.experimental.pallas import tpu as pltpu
from jax.experimental.pallas import tpu_sc as plsc

S = 2048
D = 4096
E = 64
C = 64
BS = 512
GRID = S // BS

NC = 2
NS = 16
EPC = E // NC
EPW = EPC // NS
KV = S // 16
TCH = S // NS


def _route_block(x_ref, w_ref, eidx_ref, gate_ref):
    x = x_ref[...]
    w = w_ref[...]
    lt = jax.lax.dot_general(
        w, x, (((1,), (1,)), ((), ())),
        preferred_element_type=jnp.float32)

    mx = jnp.max(lt, axis=0, keepdims=True)
    denom = jnp.sum(jnp.exp(lt - mx), axis=0, keepdims=True)
    gate_ref[...] = 1.0 / denom

    ismax = (lt == mx).astype(jnp.float32)
    er = jax.lax.broadcasted_iota(jnp.int32, (E, E), 0)
    ec = jax.lax.broadcasted_iota(jnp.int32, (E, E), 1)
    tri_e = (ec <= er).astype(jnp.float32)
    cummax = jax.lax.dot_general(
        tri_e, ismax, (((1,), (0,)), ((), ())),
        preferred_element_type=jnp.float32)
    mask = ismax * (cummax == 1.0)
    ei = jax.lax.broadcasted_iota(jnp.int32, (E, BS), 0)
    eidx_ref[...] = jnp.sum(
        jnp.where(mask != 0.0, ei, 0), axis=0, keepdims=True)


def _sc_rank_body(eidx_hbm, out_hbm, ids_v, part_v, red_v, shared):
    c = lax.axis_index("c")
    s = lax.axis_index("s")

    pltpu.sync_copy(eidx_hbm, ids_v)

    z16 = jnp.zeros((16,), jnp.int32)

    def zero_body(k, _):
        part_v[0, pl.ds(k * 16, 16)] = z16
        return 0

    lax.fori_loop(0, KV, zero_body, 0)

    lane = lax.iota(jnp.int32, 16)
    zi = jnp.zeros((16,), jnp.int32)
    for r in range(EPW):
        e = c * EPC + s * EPW + r

        def body(k, carry):
            ids16 = ids_v[0, pl.ds(k * 16, 16)]
            m = ids16 == e
            mi = jnp.where(m, 1, 0)
            pref = plsc.cumsum(mi)
            plsc.store_scatter(part_v, [zi, lane + k * 16], pref + carry,
                               mask=m)
            return carry + plsc.all_reduce_population_count(m)

        lax.fori_loop(0, KV, body, z16)

    pltpu.sync_copy(part_v, shared.at[s])
    plsc.subcore_barrier()

    pltpu.sync_copy(shared.at[:, :, pl.ds(s * TCH, TCH)], red_v)
    for j in range(TCH // 16):
        acc = z16
        for row in range(NS):
            acc = acc + red_v[row, 0, pl.ds(j * 16, 16)]
        part_v[0, pl.ds(j * 16, 16)] = acc
    pltpu.sync_copy(
        part_v.at[0, pl.ds(0, TCH)],
        out_hbm.at[c, pl.ds(s * TCH, TCH)])


def _sc_rank(eidx_row):
    mesh = plsc.VectorSubcoreMesh(core_axis_name="c", subcore_axis_name="s")
    fn = pl.kernel(
        _sc_rank_body,
        mesh=mesh,
        compiler_params=pltpu.CompilerParams(needs_layout_passes=False),
        out_type=jax.ShapeDtypeStruct((NC, S), jnp.int32),
        scratch_types=[
            pltpu.VMEM((1, S), jnp.int32),
            pltpu.VMEM((1, S), jnp.int32),
            pltpu.VMEM((NS, 1, TCH), jnp.int32),
            pltpu.VMEM_SHARED((NS, 1, S), jnp.int32),
        ],
    )
    return fn(eidx_row)


def _combine_block(eidx_ref, gate_ref, locp1_ref, cw_ref):
    eidx = eidx_ref[...].reshape(1, 1, BS)
    gate = gate_ref[...].reshape(1, 1, BS)
    lp = locp1_ref[...]
    loc = (lp[0:1, :] + lp[1:2, :] - 1).reshape(1, 1, BS)
    es = jax.lax.broadcasted_iota(jnp.int32, (E, 1, BS), 0)
    cs = jax.lax.broadcasted_iota(jnp.int32, (1, C, BS), 1)
    hit = (es == eidx) & (cs == loc)
    cw_ref[...] = jnp.where(hit, gate, 0.0)


def kernel(inp, W):
    x = inp.reshape(-1, inp.shape[-1])
    eidx, gate = pl.pallas_call(
        _route_block,
        grid=(GRID,),
        in_specs=[
            pl.BlockSpec((BS, D), lambda i: (i, 0)),
            pl.BlockSpec((E, D), lambda i: (0, 0)),
        ],
        out_specs=[
            pl.BlockSpec((1, BS), lambda i: (0, i)),
            pl.BlockSpec((1, BS), lambda i: (0, i)),
        ],
        out_shape=[
            jax.ShapeDtypeStruct((1, S), jnp.int32),
            jax.ShapeDtypeStruct((1, S), jnp.float32),
        ],
    )(x, W)

    locp1 = _sc_rank(eidx)

    cw_t = pl.pallas_call(
        _combine_block,
        grid=(GRID,),
        in_specs=[
            pl.BlockSpec((1, BS), lambda i: (0, i)),
            pl.BlockSpec((1, BS), lambda i: (0, i)),
            pl.BlockSpec((NC, BS), lambda i: (0, i)),
        ],
        out_specs=pl.BlockSpec((E, C, BS), lambda i: (0, 0, i)),
        out_shape=jax.ShapeDtypeStruct((E, C, S), jnp.float32),
    )(eidx, gate, locp1)

    cw = jnp.transpose(cw_t, (2, 0, 1))
    e0 = eidx.reshape(S, 1, 1)
    l0 = (locp1[0] + locp1[1]).reshape(S, 1, 1) - 1
    e_i = jax.lax.broadcasted_iota(jnp.int32, (S, E, C), 1)
    c_i = jax.lax.broadcasted_iota(jnp.int32, (S, E, C), 2)
    dm = (e_i == e0) & (c_i == l0)
    return cw, dm

# --- scband reference (transcript-rebuilt; emitter-appended) ---
"""Pipeline reference for scband-gshard-gate-79474074845410 (READ-ONLY COPY).

The authoritative reference and input builder live on the scoring server;
editing this copy changes nothing except your own understanding.
"""

import jax, jax.numpy as jnp
import numpy as np
import math

NUM_TOKENS = 2048
D_MODEL = 4096
NUM_EXPERTS = 64  # dist.get_world_size() in the original
TOP_K = 2         # args.k
CAP_F = 1.0       # args.f (capacity_factor)
MIN_CAPACITY = 1
# capacity = ceil(num_tokens / num_experts * capacity_factor); then scaled by top_k
_base_cap = max(int(math.ceil(NUM_TOKENS / NUM_EXPERTS * CAP_F)), MIN_CAPACITY)
CAPACITY = TOP_K * _base_cap


def setup_inputs(seed: int = 0) -> dict:
    key = jax.random.key(seed)
    k1, k2 = jax.random.split(key)
    inp = jax.random.normal(k1, (NUM_TOKENS, D_MODEL), dtype=jnp.float32)
    # wg: nn.Linear(M, world_size, bias=False) -> weight shape [num_experts, d_model]
    W = jax.random.normal(k2, (NUM_EXPERTS, D_MODEL), dtype=jnp.float32) * 0.02
    return {"inp": inp, "W": W}


def reference(inp, W):
    # forward: flatten token dim, router linear, then top1gating (non-tutel path,
    # since the tutel branch references an unimported module in the original).
    x = inp.reshape(-1, inp.shape[-1])
    logits = x @ W.T  # [s, e]
    gates = jax.nn.softmax(logits, axis=1)
    num_experts = gates.shape[1]

    # indices of the top-1 expert per token
    indices1_s = jnp.argmax(gates, axis=1)  # [s] int
    mask1 = jax.nn.one_hot(indices1_s, num_experts, dtype=jnp.int32)  # [s, e]

    # _top_idx: torch.topk(mask1, k=capacity, dim=0)[1]  -> per-expert first `capacity` tokens
    top_idx = jax.lax.top_k(mask1.T, CAPACITY)[1].T  # [capacity, e]

    # zeros.scatter_(0, top_idx, 1)
    keep = jnp.zeros_like(mask1).at[top_idx, jnp.arange(num_experts)[None, :]].set(1)
    mask1 = mask1 * keep

    # locations1 = cumsum(mask1, dim=0) - 1
    locations1 = jnp.cumsum(mask1, axis=0) - 1
    locations1_s = jnp.sum(locations1 * mask1, axis=1)  # [s] int

    mask1_float = mask1.astype(jnp.float32)
    gates = gates * mask1_float

    locations1_sc = jax.nn.one_hot(locations1_s, CAPACITY, dtype=jnp.float32)  # [s, c]
    combine_weights = jnp.einsum('se,sc->sec', gates, locations1_sc)  # [s, e, c]
    dispatch_mask = combine_weights.astype(bool)
    return (combine_weights, dispatch_mask)

if __name__ == "__main__":
    import jax
    _d = setup_inputs()
    print(jax.jit(kernel)(*tuple(_d.values())))

</pallas_src>

<mosaic_0001>
#map = affine_map<(d0, d1) -> (0, 0)>
module attributes {stable_mosaic.version = 14 : i64} {
  func.func @_sc_rank_body(%arg0: i32, %arg1: i32, %arg2: memref<1x2048xi32, #tpu.memory_space<hbm>>, %arg3: memref<2x2048xi32, #tpu.memory_space<hbm>>, %arg4: memref<1x2048xi32, #tpu.memory_space<vmem>>, %arg5: memref<1x2048xi32, #tpu.memory_space<vmem>>, %arg6: memref<16x1x128xi32, #tpu.memory_space<vmem>>, %arg7: memref<16x1x2048xi32, #tpu.memory_space<vmem_shared>>) attributes {dimension_semantics = [#tpu.dimension_semantics<core_parallel>, #tpu.dimension_semantics<subcore_parallel>], iteration_bounds = array<i64: 2, 16>, scalar_prefetch = 0 : i64, scratch_operands = 4 : i64, tpu.core_type = #tpu.core_type<sc_vector_subcore>, window_params = [{transform_indices = #map}, {transform_indices = #map}]} {
    "tpu.region"() ({
      %run_scoped3A_963 = tpu.sem_alloc : memref<!tpu.dma_semaphore, #tpu.memory_space<semaphore_mem>>
      tpu.enqueue_dma source(%arg2 : memref<1x2048xi32, #tpu.memory_space<hbm>>) target(%arg4 : memref<1x2048xi32, #tpu.memory_space<vmem>>) target_semaphore(%run_scoped3A_963 : memref<!tpu.dma_semaphore, #tpu.memory_space<semaphore_mem>>)
      tpu.wait_dma2 semaphore(%run_scoped3A_963 : memref<!tpu.dma_semaphore, #tpu.memory_space<semaphore_mem>>) src(%arg2 : memref<1x2048xi32, #tpu.memory_space<hbm>>) dst(%arg4 : memref<1x2048xi32, #tpu.memory_space<vmem>>)
      tpu.yield
    }) : () -> ()
    %broadcast_in_dim3A = arith.constant 0 : i32
    %broadcast_in_dim3A_0 = vector.broadcast %broadcast_in_dim3A : i32 to vector<16xi32>
    %scan3A = arith.constant 0 : i32
    %scan3A_1 = arith.constant 0 : i32
    %scan3A_2 = arith.constant 128 : i32
    %scan3A_3 = arith.addi %scan3A_1, %scan3A_2 : i32
    %scan3A_4 = arith.constant 1 : i32
    %scan3A_5 = scf.for %scan3A_963 = %scan3A_1 to %scan3A_3 step %scan3A_4 iter_args(%scan3A_964 = %scan3A) -> (i32)  : i32 {
      %mul3A_965 = arith.constant 16 : i32
      %mul3A_966 = arith.muli %scan3A_963, %mul3A_965 : i32
      %swap3A_967 = arith.constant 0 : i32
      %swap3A_968 = arith.index_cast %swap3A_967 : i32 to index
      %swap3A_969 = arith.index_cast %mul3A_966 : i32 to index
      %swap3A_970 = tpu.vector_load %arg5[%swap3A_968, %swap3A_969] {strides = array<i32>} : memref<1x2048xi32, #tpu.memory_space<vmem>>, vector<16xi32>,
      tpu.vector_store %arg5[%swap3A_968, %swap3A_969], %broadcast_in_dim3A_0 {strides = array<i32>} : memref<1x2048xi32, #tpu.memory_space<vmem>>, vector<16xi32>,
      %scan3A_971 = arith.constant 0 : i32
      scf.yield %scan3A_971 : i32
    }
    %scan3A_6 = arith.constant 128 : i32
    %iota3A = tpu.iota {dimensions = array<i32: 0>} : vector<16xi32>
    %broadcast_in_dim3A_7 = arith.constant 0 : i32
    %broadcast_in_dim3A_8 = vector.broadcast %broadcast_in_dim3A_7 : i32 to vector<16xi32>
    %mul3A = arith.constant 32 : i32
    %mul3A_9 = arith.muli %arg0, %mul3A : i32
    %mul3A_10 = arith.constant 2 : i32
    %mul3A_11 = arith.muli %arg1, %mul3A_10 : i32
    %add3A = arith.addi %mul3A_9, %mul3A_11 : i32
    %add3A_12 = arith.constant 0 : i32
    %add3A_13 = arith.addi %add3A, %add3A_12 : i32
    %scan3A_14 = arith.constant 0 : i32
    %scan3A_15 = arith.constant 128 : i32
    %scan3A_16 = arith.addi %scan3A_14, %scan3A_15 : i32
    %scan3A_17 = arith.constant 1 : i32
    %scan3A_18 = scf.for %scan3A_963 = %scan3A_14 to %scan3A_16 step %scan3A_17 iter_args(%scan3A_964 = %broadcast_in_dim3A_0) -> (vector<16xi32>)  : i32 {
      %mul3A_965 = arith.constant 16 : i32
      %mul3A_966 = arith.muli %scan3A_963, %mul3A_965 : i32
      %get3A_967 = arith.constant 0 : i32
      %get3A_968 = arith.index_cast %get3A_967 : i32 to index
      %get3A_969 = arith.index_cast %mul3A_966 : i32 to index
      %get3A_970 = tpu.vector_load %arg4[%get3A_968, %get3A_969] {strides = array<i32>} : memref<1x2048xi32, #tpu.memory_space<vmem>>, vector<16xi32>,
      %eq3A = vector.broadcast %add3A_13 : i32 to vector<16xi32>
      %eq3A_971 = arith.cmpi eq, %get3A_970, %eq3A : vector<16xi32>
      %jit3A = arith.constant 1 : i32
      %jit3A_972 = arith.constant 0 : i32
      %broadcast_in_dim3A_973 = vector.broadcast %jit3A : i32 to vector<16xi32>
      %broadcast_in_dim3A_974 = vector.broadcast %jit3A_972 : i32 to vector<16xi32>
      %select_n3A = arith.select %eq3A_971, %broadcast_in_dim3A_973, %broadcast_in_dim3A_974 : vector<16xi1>, vector<16xi32>
      %broadcast_in_dim3A_975 = arith.constant true
      %broadcast_in_dim3A_976 = vector.broadcast %broadcast_in_dim3A_975 : i1 to vector<16xi1>
      %masked_cumsum3A = tpu.scan <sum>, %select_n3A masked %broadcast_in_dim3A_976 : vector<16xi32>, vector<16xi1> -> vector<16xi32>
      %mul3A_977 = arith.constant 16 : i32
      %mul3A_978 = arith.muli %scan3A_963, %mul3A_977 : i32
      %add3A_979 = vector.broadcast %mul3A_978 : i32 to vector<16xi32>
      %add3A_980 = arith.addi %iota3A, %add3A_979 : vector<16xi32>
      %add3A_981 = arith.addi %masked_cumsum3A, %scan3A_964 : vector<16xi32>
      tpu.vector_store_idx %arg5[%broadcast_in_dim3A_8, %add3A_980], %add3A_981 masked %eq3A_971 : memref<1x2048xi32, #tpu.memory_space<vmem>>[vector<16xi32>, vector<16xi32>], vector<16xi32>, vector<16xi1>
      %all_reduce_population_count3A = tpu.all_reduce %eq3A_971 {dim = 0 : i64, kind = #tpu.reduction_kind<sum>} : vector<16xi1> -> vector<16xi32>
      %add3A_982 = arith.addi %scan3A_964, %all_reduce_population_count3A : vector<16xi32>
      scf.yield %add3A_982 : vector<16xi32>
    }
    %scan3A_19 = arith.constant 128 : i32
    %mul3A_20 = arith.constant 32 : i32
    %mul3A_21 = arith.muli %arg0, %mul3A_20 : i32
    %mul3A_22 = arith.constant 2 : i32
    %mul3A_23 = arith.muli %arg1, %mul3A_22 : i32
    %add3A_24 = arith.addi %mul3A_21, %mul3A_23 : i32
    %add3A_25 = arith.constant 1 : i32
    %add3A_26 = arith.addi %add3A_24, %add3A_25 : i32
    %scan3A_27 = arith.constant 0 : i32
    %scan3A_28 = arith.constant 128 : i32
    %scan3A_29 = arith.addi %scan3A_27, %scan3A_28 : i32
    %scan3A_30 = arith.constant 1 : i32
    %scan3A_31 = scf.for %scan3A_963 = %scan3A_27 to %scan3A_29 step %scan3A_30 iter_args(%scan3A_964 = %broadcast_in_dim3A_0) -> (vector<16xi32>)  : i32 {
      %mul3A_965 = arith.constant 16 : i32
      %mul3A_966 = arith.muli %scan3A_963, %mul3A_965 : i32
      %get3A_967 = arith.constant 0 : i32
      %get3A_968 = arith.index_cast %get3A_967 : i32 to index
      %get3A_969 = arith.index_cast %mul3A_966 : i32 to index
      %get3A_970 = tpu.vector_load %arg4[%get3A_968, %get3A_969] {strides = array<i32>} : memref<1x2048xi32, #tpu.memory_space<vmem>>, vector<16xi32>,
      %eq3A = vector.broadcast %add3A_26 : i32 to vector<16xi32>
      %eq3A_971 = arith.cmpi eq, %get3A_970, %eq3A : vector<16xi32>
      %jit3A = arith.constant 1 : i32
      %jit3A_972 = arith.constant 0 : i32
      %broadcast_in_dim3A_973 = vector.broadcast %jit3A : i32 to vector<16xi32>
      %broadcast_in_dim3A_974 = vector.broadcast %jit3A_972 : i32 to vector<16xi32>
      %select_n3A = arith.select %eq3A_971, %broadcast_in_dim3A_973, %broadcast_in_dim3A_974 : vector<16xi1>, vector<16xi32>
      %broadcast_in_dim3A_975 = arith.constant true
      %broadcast_in_dim3A_976 = vector.broadcast %broadcast_in_dim3A_975 : i1 to vector<16xi1>
      %masked_cumsum3A = tpu.scan <sum>, %select_n3A masked %broadcast_in_dim3A_976 : vector<16xi32>, vector<16xi1> -> vector<16xi32>
      %mul3A_977 = arith.constant 16 : i32
      %mul3A_978 = arith.muli %scan3A_963, %mul3A_977 : i32
      %add3A_979 = vector.broadcast %mul3A_978 : i32 to vector<16xi32>
      %add3A_980 = arith.addi %iota3A, %add3A_979 : vector<16xi32>
      %add3A_981 = arith.addi %masked_cumsum3A, %scan3A_964 : vector<16xi32>
      tpu.vector_store_idx %arg5[%broadcast_in_dim3A_8, %add3A_980], %add3A_981 masked %eq3A_971 : memref<1x2048xi32, #tpu.memory_space<vmem>>[vector<16xi32>, vector<16xi32>], vector<16xi32>, vector<16xi1>
      %all_reduce_population_count3A = tpu.all_reduce %eq3A_971 {dim = 0 : i64, kind = #tpu.reduction_kind<sum>} : vector<16xi1> -> vector<16xi32>
      %add3A_982 = arith.addi %scan3A_964, %all_reduce_population_count3A : vector<16xi32>
      scf.yield %add3A_982 : vector<16xi32>
    }
    %scan3A_32 = arith.constant 128 : i32
    "tpu.region"() ({
      %run_scoped3A_963 = tpu.sem_alloc : memref<!tpu.dma_semaphore, #tpu.memory_space<semaphore_mem>>
      %dma_start3A = arith.constant 0 : i32
      %dma_start3A_964 = arith.constant 0 : i32
      %dma_start3A_965 = tpu.memref_slice %arg7[%arg1, %dma_start3A, %dma_start3A_964] : memref<16x1x2048xi32, #tpu.memory_space<vmem_shared>> -> memref<1x1x2048xi32, #tpu.memory_space<vmem_shared>>
      %dma_start3A_966 = tpu.memref_squeeze %dma_start3A_965 : memref<1x1x2048xi32, #tpu.memory_space<vmem_shared>> -> memref<1x2048xi32, #tpu.memory_space<vmem_shared>>
      %dma_start3A_967 = arith.constant 0 : i32
      %dma_start3A_968 = arith.constant 0 : i32
      %dma_start3A_969 = tpu.memref_slice %arg7[%arg1, %dma_start3A_967, %dma_start3A_968] : memref<16x1x2048xi32, #tpu.memory_space<vmem_shared>> -> memref<1x1x2048xi32, #tpu.memory_space<vmem_shared>>
      %dma_start3A_970 = tpu.memref_squeeze %dma_start3A_969 : memref<1x1x2048xi32, #tpu.memory_space<vmem_shared>> -> memref<1x2048xi32, #tpu.memory_space<vmem_shared>>
      tpu.enqueue_dma source(%arg5 : memref<1x2048xi32, #tpu.memory_space<vmem>>) target(%dma_start3A_970 : memref<1x2048xi32, #tpu.memory_space<vmem_shared>>) target_semaphore(%run_scoped3A_963 : memref<!tpu.dma_semaphore, #tpu.memory_space<semaphore_mem>>)
      %dma_wait3A = arith.constant 0 : i32
      %dma_wait3A_971 = arith.constant 0 : i32
      %dma_wait3A_972 = tpu.memref_slice %arg7[%arg1, %dma_wait3A, %dma_wait3A_971] : memref<16x1x2048xi32, #tpu.memory_space<vmem_shared>> -> memref<1x1x2048xi32, #tpu.memory_space<vmem_shared>>
      %dma_wait3A_973 = tpu.memref_squeeze %dma_wait3A_972 : memref<1x1x2048xi32, #tpu.memory_space<vmem_shared>> -> memref<1x2048xi32, #tpu.memory_space<vmem_shared>>
      %dma_wait3A_974 = arith.constant 0 : i32
      %dma_wait3A_975 = arith.constant 0 : i32
      %dma_wait3A_976 = tpu.memref_slice %arg7[%arg1, %dma_wait3A_974, %dma_wait3A_975] : memref<16x1x2048xi32, #tpu.memory_space<vmem_shared>> -> memref<1x1x2048xi32, #tpu.memory_space<vmem_shared>>
      %dma_wait3A_977 = tpu.memref_squeeze %dma_wait3A_976 : memref<1x1x2048xi32, #tpu.memory_space<vmem_shared>> -> memref<1x2048xi32, #tpu.memory_space<vmem_shared>>
      tpu.wait_dma2 semaphore(%run_scoped3A_963 : memref<!tpu.dma_semaphore, #tpu.memory_space<semaphore_mem>>) src(%arg5 : memref<1x2048xi32, #tpu.memory_space<vmem>>) dst(%dma_wait3A_977 : memref<1x2048xi32, #tpu.memory_space<vmem_shared>>)
      tpu.yield
    }) : () -> ()
    %barrier3A = arith.constant 0 : index
    tpu.barrier barrier_id(%barrier3A)
    %mul3A_33 = arith.constant 128 : i32
    %mul3A_34 = arith.muli %arg1, %mul3A_33 : i32
    "tpu.region"() ({
      %run_scoped3A_963 = tpu.sem_alloc : memref<!tpu.dma_semaphore, #tpu.memory_space<semaphore_mem>>
      %dma_start3A = arith.constant 0 : i32
      %dma_start3A_964 = arith.constant 0 : i32
      %dma_start3A_965 = tpu.memref_slice %arg7[%dma_start3A, %dma_start3A_964, %mul3A_34] : memref<16x1x2048xi32, #tpu.memory_space<vmem_shared>> -> memref<16x1x128xi32, #tpu.memory_space<vmem_shared>>
      %dma_start3A_966 = arith.constant 0 : i32
      %dma_start3A_967 = arith.constant 0 : i32
      %dma_start3A_968 = tpu.memref_slice %arg7[%dma_start3A_966, %dma_start3A_967, %mul3A_34] : memref<16x1x2048xi32, #tpu.memory_space<vmem_shared>> -> memref<16x1x128xi32, #tpu.memory_space<vmem_shared>>
      tpu.enqueue_dma source(%dma_start3A_968 : memref<16x1x128xi32, #tpu.memory_space<vmem_shared>>) target(%arg6 : memref<16x1x128xi32, #tpu.memory_space<vmem>>) target_semaphore(%run_scoped3A_963 : memref<!tpu.dma_semaphore, #tpu.memory_space<semaphore_mem>>)
      %dma_wait3A = arith.constant 0 : i32
      %dma_wait3A_969 = arith.constant 0 : i32
      %dma_wait3A_970 = tpu.memref_slice %arg7[%dma_wait3A, %dma_wait3A_969, %mul3A_34] : memref<16x1x2048xi32, #tpu.memory_space<vmem_shared>> -> memref<16x1x128xi32, #tpu.memory_space<vmem_shared>>
      %dma_wait3A_971 = arith.constant 0 : i32
      %dma_wait3A_972 = arith.constant 0 : i32
      %dma_wait3A_973 = tpu.memref_slice %arg7[%dma_wait3A_971, %dma_wait3A_972, %mul3A_34] : memref<16x1x2048xi32, #tpu.memory_space<vmem_shared>> -> memref<16x1x128xi32, #tpu.memory_space<vmem_shared>>
      tpu.wait_dma2 semaphore(%run_scoped3A_963 : memref<!tpu.dma_semaphore, #tpu.memory_space<semaphore_mem>>) src(%dma_wait3A_973 : memref<16x1x128xi32, #tpu.memory_space<vmem_shared>>) dst(%arg6 : memref<16x1x128xi32, #tpu.memory_space<vmem>>)
      tpu.yield
    }) : () -> ()
    %get3A = arith.constant 0 : i32
    %get3A_35 = arith.constant 0 : i32
    %get3A_36 = arith.index_cast %get3A : i32 to index
    %get3A_37 = arith.index_cast %get3A_35 : i32 to index
    %get3A_38 = arith.constant 0 : index
    %get3A_39 = tpu.vector_load %arg6[%get3A_36, %get3A_37, %get3A_38] {strides = array<i32>} : memref<16x1x128xi32, #tpu.memory_space<vmem>>, vector<16xi32>,
    %add3A_40 = arith.addi %broadcast_in_dim3A_0, %get3A_39 : vector<16xi32>
    %get3A_41 = arith.constant 1 : i32
    %get3A_42 = arith.constant 0 : i32
    %get3A_43 = arith.index_cast %get3A_41 : i32 to index
    %get3A_44 = arith.index_cast %get3A_42 : i32 to index
    %get3A_45 = arith.constant 0 : index
    %get3A_46 = tpu.vector_load %arg6[%get3A_43, %get3A_44, %get3A_45] {strides = array<i32>} : memref<16x1x128xi32, #tpu.memory_space<vmem>>, vector<16xi32>,
    %add3A_47 = arith.addi %add3A_40, %get3A_46 : vector<16xi32>
    %get3A_48 = arith.constant 2 : i32
    %get3A_49 = arith.constant 0 : i32
    %get3A_50 = arith.index_cast %get3A_48 : i32 to index
    %get3A_51 = arith.index_cast %get3A_49 : i32 to index
    %get3A_52 = arith.constant 0 : index
    %get3A_53 = tpu.vector_load %arg6[%get3A_50, %get3A_51, %get3A_52] {strides = array<i32>} : memref<16x1x128xi32, #tpu.memory_space<vmem>>, vector<16xi32>,
    %add3A_54 = arith.addi %add3A_47, %get3A_53 : vector<16xi32>
    %get3A_55 = arith.constant 3 : i32
    %get3A_56 = arith.constant 0 : i32
    %get3A_57 = arith.index_cast %get3A_55 : i32 to index
    %get3A_58 = arith.index_cast %get3A_56 : i32 to index
    %get3A_59 = arith.constant 0 : index
    %get3A_60 = tpu.vector_load %arg6[%get3A_57, %get3A_58, %get3A_59] {strides = array<i32>} : memref<16x1x128xi32, #tpu.memory_space<vmem>>, vector<16xi32>,
    %add3A_61 = arith.addi %add3A_54, %get3A_60 : vector<16xi32>
    %get3A_62 = arith.constant 4 : i32
    %get3A_63 = arith.constant 0 : i32
    %get3A_64 = arith.index_cast %get3A_62 : i32 to index
    %get3A_65 = arith.index_cast %get3A_63 : i32 to index
    %get3A_66 = arith.constant 0 : index
    %get3A_67 = tpu.vector_load %arg6[%get3A_64, %get3A_65, %get3A_66] {strides = array<i32>} : memref<16x1x128xi32, #tpu.memory_space<vmem>>, vector<16xi32>,
    %add3A_68 = arith.addi %add3A_61, %get3A_67 : vector<16xi32>
    %get3A_69 = arith.constant 5 : i32
    %get3A_70 = arith.constant 0 : i32
    %get3A_71 = arith.index_cast %get3A_69 : i32 to index
    %get3A_72 = arith.index_cast %get3A_70 : i32 to index
    %get3A_73 = arith.constant 0 : index
    %get3A_74 = tpu.vector_load %arg6[%get3A_71, %get3A_72, %get3A_73] {strides = array<i32>} : memref<16x1x128xi32, #tpu.memory_space<vmem>>, vector<16xi32>,
    %add3A_75 = arith.addi %add3A_68, %get3A_74 : vector<16xi32>
    %get3A_76 = arith.constant 6 : i32
    %get3A_77 = arith.constant 0 : i32
    %get3A_78 = arith.index_cast %get3A_76 : i32 to index
    %get3A_79 = arith.index_cast %get3A_77 : i32 to index
    %get3A_80 = arith.constant 0 : index
    %get3A_81 = tpu.vector_load %arg6[%get3A_78, %get3A_79, %get3A_80] {strides = array<i32>} : memref<16x1x128xi32, #tpu.memory_space<vmem>>, vector<16xi32>,
    %add3A_82 = arith.addi %add3A_75, %get3A_81 : vector<16xi32>
    %get3A_83 = arith.constant 7 : i32
    %get3A_84 = arith.constant 0 : i32
    %get3A_85 = arith.index_cast %get3A_83 : i32 to index
    %get3A_86 = arith.index_cast %get3A_84 : i32 to index
    %get3A_87 = arith.constant 0 : index
    %get3A_88 = tpu.vector_load %arg6[%get3A_85, %get3A_86, %get3A_87] {strides = array<i32>} : memref<16x1x128xi32, #tpu.memory_space<vmem>>, vector<16xi32>,
    %add3A_89 = arith.addi %add3A_82, %get3A_88 : vector<16xi32>
    %get3A_90 = arith.constant 8 : i32
    %get3A_91 = arith.constant 0 : i32
    %get3A_92 = arith.index_cast %get3A_90 : i32 to index
    %get3A_93 = arith.index_cast %get3A_91 : i32 to index
    %get3A_94 = arith.constant 0 : index
    %get3A_95 = tpu.vector_load %arg6[%get3A_92, %get3A_93, %get3A_94] {strides = array<i32>} : memref<16x1x128xi32, #tpu.memory_space<vmem>>, vector<16xi32>,
    %add3A_96 = arith.addi %add3A_89, %get3A_95 : vector<16xi32>
    %get3A_97 = arith.constant 9 : i32
    %get3A_98 = arith.constant 0 : i32
    %get3A_99 = arith.index_cast %get3A_97 : i32 to index
    %get3A_100 = arith.index_cast %get3A_98 : i32 to index
    %get3A_101 = arith.constant 0 : index
    %get3A_102 = tpu.vector_load %arg6[%get3A_99, %get3A_100, %get3A_101] {strides = array<i32>} : memref<16x1x128xi32, #tpu.memory_space<vmem>>, vector<16xi32>,
    %add3A_103 = arith.addi %add3A_96, %get3A_102 : vector<16xi32>
    %get3A_104 = arith.constant 10 : i32
    %get3A_105 = arith.constant 0 : i32
    %get3A_106 = arith.index_cast %get3A_104 : i32 to index
    %get3A_107 = arith.index_cast %get3A_105 : i32 to index
    %get3A_108 = arith.constant 0 : index
    %get3A_109 = tpu.vector_load %arg6[%get3A_106, %get3A_107, %get3A_108] {strides = array<i32>} : memref<16x1x128xi32, #tpu.memory_space<vmem>>, vector<16xi32>,
    %add3A_110 = arith.addi %add3A_103, %get3A_109 : vector<16xi32>
    %get3A_111 = arith.constant 11 : i32
    %get3A_112 = arith.constant 0 : i32
    %get3A_113 = arith.index_cast %get3A_111 : i32 to index
    %get3A_114 = arith.index_cast %get3A_112 : i32 to index
    %get3A_115 = arith.constant 0 : index
    %get3A_116 = tpu.vector_load %arg6[%get3A_113, %get3A_114, %get3A_115] {strides = array<i32>} : memref<16x1x128xi32, #tpu.memory_space<vmem>>, vector<16xi32>,
    %add3A_117 = arith.addi %add3A_110, %get3A_116 : vector<16xi32>
    %get3A_118 = arith.constant 12 : i32
    %get3A_119 = arith.constant 0 : i32
    %get3A_120 = arith.index_cast %get3A_118 : i32 to index
    %get3A_121 = arith.index_cast %get3A_119 : i32 to index
    %get3A_122 = arith.constant 0 : index
    %get3A_123 = tpu.vector_load %arg6[%get3A_120, %get3A_121, %get3A_122] {strides = array<i32>} : memref<16x1x128xi32, #tpu.memory_space<vmem>>, vector<16xi32>,
    %add3A_124 = arith.addi %add3A_117, %get3A_123 : vector<16xi32>
    %get3A_125 = arith.constant 13 : i32
    %get3A_126 = arith.constant 0 : i32
    %get3A_127 = arith.index_cast %get3A_125 : i32 to index
    %get3A_128 = arith.index_cast %get3A_126 : i32 to index
    %get3A_129 = arith.constant 0 : index
    %get3A_130 = tpu.vector_load %arg6[%get3A_127, %get3A_128, %get3A_129] {strides = array<i32>} : memref<16x1x128xi32, #tpu.memory_space<vmem>>, vector<16xi32>,
    %add3A_131 = arith.addi %add3A_124, %get3A_130 : vector<16xi32>
    %get3A_132 = arith.constant 14 : i32
    %get3A_133 = arith.constant 0 : i32
    %get3A_134 = arith.index_cast %get3A_132 : i32 to index
    %get3A_135 = arith.index_cast %get3A_133 : i32 to index
    %get3A_136 = arith.constant 0 : index
    %get3A_137 = tpu.vector_load %arg6[%get3A_134, %get3A_135, %get3A_136] {strides = array<i32>} : memref<16x1x128xi32, #tpu.memory_space<vmem>>, vector<16xi32>,
    %add3A_138 = arith.addi %add3A_131, %get3A_137 : vector<16xi32>
    %get3A_139 = arith.constant 15 : i32
    %get3A_140 = arith.constant 0 : i32
    %get3A_141 = arith.index_cast %get3A_139 : i32 to index
    %get3A_142 = arith.index_cast %get3A_140 : i32 to index
    %get3A_143 = arith.constant 0 : index
    %get3A_144 = tpu.vector_load %arg6[%get3A_141, %get3A_142, %get3A_143] {strides = array<i32>} : memref<16x1x128xi32, #tpu.memory_space<vmem>>, vector<16xi32>,
    %add3A_145 = arith.addi %add3A_138, %get3A_144 : vector<16xi32>
    %swap3A = arith.constant 0 : i32
    %swap3A_146 = arith.index_cast %swap3A : i32 to index
    %swap3A_147 = arith.constant 0 : index
    %swap3A_148 = tpu.vector_load %arg5[%swap3A_146, %swap3A_147] {strides = array<i32>} : memref<1x2048xi32, #tpu.memory_space<vmem>>, vector<16xi32>,
    tpu.vector_store %arg5[%swap3A_146, %swap3A_147], %add3A_145 {strides = array<i32>} : memref<1x2048xi32, #tpu.memory_space<vmem>>, vector<16xi32>,
    %get3A_149 = arith.constant 0 : i32
    %get3A_150 = arith.constant 0 : i32
    %get3A_151 = arith.index_cast %get3A_149 : i32 to index
    %get3A_152 = arith.index_cast %get3A_150 : i32 to index
    %get3A_153 = arith.constant 16 : index
    %get3A_154 = tpu.vector_load %arg6[%get3A_151, %get3A_152, %get3A_153] {strides = array<i32>} : memref<16x1x128xi32, #tpu.memory_space<vmem>>, vector<16xi32>,
    %add3A_155 = arith.addi %broadcast_in_dim3A_0, %get3A_154 : vector<16xi32>
    %get3A_156 = arith.constant 1 : i32
    %get3A_157 = arith.constant 0 : i32
    %get3A_158 = arith.index_cast %get3A_156 : i32 to index
    %get3A_159 = arith.index_cast %get3A_157 : i32 to index
    %get3A_160 = arith.constant 16 : index
    %get3A_161 = tpu.vector_load %arg6[%get3A_158, %get3A_159, %get3A_160] {strides = array<i32>} : memref<16x1x128xi32, #tpu.memory_space<vmem>>, vector<16xi32>,
    %add3A_162 = arith.addi %add3A_155, %get3A_161 : vector<16xi32>
    %get3A_163 = arith.constant 2 : i32
    %get3A_164 = arith.constant 0 : i32
    %get3A_165 = arith.index_cast %get3A_163 : i32 to index
    %get3A_166 = arith.index_cast %get3A_164 : i32 to index
    %get3A_167 = arith.constant 16 : index
    %get3A_168 = tpu.vector_load %arg6[%get3A_165, %get3A_166, %get3A_167] {strides = array<i32>} : memref<16x1x128xi32, #tpu.memory_space<vmem>>, vector<16xi32>,
    %add3A_169 = arith.addi %add3A_162, %get3A_168 : vector<16xi32>
    %get3A_170 = arith.constant 3 : i32
    %get3A_171 = arith.constant 0 : i32
    %get3A_172 = arith.index_cast %get3A_170 : i32 to index
    %get3A_173 = arith.index_cast %get3A_171 : i32 to index
    %get3A_174 = arith.constant 16 : index
    %get3A_175 = tpu.vector_load %arg6[%get3A_172, %get3A_173, %get3A_174] {strides = array<i32>} : memref<16x1x128xi32, #tpu.memory_space<vmem>>, vector<16xi32>,
    %add3A_176 = arith.addi %add3A_169, %get3A_175 : vector<16xi32>
    %get3A_177 = arith.constant 4 : i32
    %get3A_178 = arith.constant 0 : i32
    %get3A_179 = arith.index_cast %get3A_177 : i32 to index
    %get3A_180 = arith.index_cast %get3A_178 : i32 to index
    %get3A_181 = arith.constant 16 : index
    %get3A_182 = tpu.vector_load %arg6[%get3A_179, %get3A_180, %get3A_181] {strides = array<i32>} : memref<16x1x128xi32, #tpu.memory_space<vmem>>, vector<16xi32>,
    %add3A_183 = arith.addi %add3A_176, %get3A_182 : vector<16xi32>
    %get3A_184 = arith.constant 5 : i32
    %get3A_185 = arith.constant 0 : i32
    %get3A_186 = arith.index_cast %get3A_184 : i32 to index
    %get3A_187 = arith.index_cast %get3A_185 : i32 to index
    %get3A_188 = arith.constant 16 : index
    %get3A_189 = tpu.vector_load %arg6[%get3A_186, %get3A_187, %get3A_188] {strides = array<i32>} : memref<16x1x128xi32, #tpu.memory_space<vmem>>, vector<16xi32>,
    %add3A_190 = arith.addi %add3A_183, %get3A_189 : vector<16xi32>
    %get3A_191 = arith.constant 6 : i32
    %get3A_192 = arith.constant 0 : i32
    %get3A_193 = arith.index_cast %get3A_191 : i32 to index
    %get3A_194 = arith.index_cast %get3A_192 : i32 to index
    %get3A_195 = arith.constant 16 : index
    %get3A_196 = tpu.vector_load %arg6[%get3A_193, %get3A_194, %get3A_195] {strides = array<i32>} : memref<16x1x128xi32, #tpu.memory_space<vmem>>, vector<16xi32>,
    %add3A_197 = arith.addi %add3A_190, %get3A_196 : vector<16xi32>
    %get3A_198 = arith.constant 7 : i32
    %get3A_199 = arith.constant 0 : i32
    %get3A_200 = arith.index_cast %get3A_198 : i32 to index
    %get3A_201 = arith.index_cast %get3A_199 : i32 to index
    %get3A_202 = arith.constant 16 : index
    %get3A_203 = tpu.vector_load %arg6[%get3A_200, %get3A_201, %get3A_202] {strides = array<i32>} : memref<16x1x128xi32, #tpu.memory_space<vmem>>, vector<16xi32>,
    %add3A_204 = arith.addi %add3A_197, %get3A_203 : vector<16xi32>
    %get3A_205 = arith.constant 8 : i32
    %get3A_206 = arith.constant 0 : i32
    %get3A_207 = arith.index_cast %get3A_205 : i32 to index
    %get3A_208 = arith.index_cast %get3A_206 : i32 to index
    %get3A_209 = arith.constant 16 : index
    %get3A_210 = tpu.vector_load %arg6[%get3A_207, %get3A_208, %get3A_209] {strides = array<i32>} : memref<16x1x128xi32, #tpu.memory_space<vmem>>, vector<16xi32>,
    %add3A_211 = arith.addi %add3A_204, %get3A_210 : vector<16xi32>
    %get3A_212 = arith.constant 9 : i32
    %get3A_213 = arith.constant 0 : i32
    %get3A_214 = arith.index_cast %get3A_212 : i32 to index
    %get3A_215 = arith.index_cast %get3A_213 : i32 to index
    %get3A_216 = arith.constant 16 : index
    %get3A_217 = tpu.vector_load %arg6[%get3A_214, %get3A_215, %get3A_216] {strides = array<i32>} : memref<16x1x128xi32, #tpu.memory_space<vmem>>, vector<16xi32>,
    %add3A_218 = arith.addi %add3A_211, %get3A_217 : vector<16xi32>
    %get3A_219 = arith.constant 10 : i32
    %get3A_220 = arith.constant 0 : i32
    %get3A_221 = arith.index_cast %get3A_219 : i32 to index
    %get3A_222 = arith.index_cast %get3A_220 : i32 to index
    %get3A_223 = arith.constant 16 : index
    %get3A_224 = tpu.vector_load %arg6[%get3A_221, %get3A_222, %get3A_223] {strides = array<i32>} : memref<16x1x128xi32, #tpu.memory_space<vmem>>, vector<16xi32>,
    %add3A_225 = arith.addi %add3A_218, %get3A_224 : vector<16xi32>
    %get3A_226 = arith.constant 11 : i32
    %get3A_227 = arith.constant 0 : i32
    %get3A_228 = arith.index_cast %get3A_226 : i32 to index
    %get3A_229 = arith.index_cast %get3A_227 : i32 to index
    %get3A_230 = arith.constant 16 : index
    %get3A_231 = tpu.vector_load %arg6[%get3A_228, %get3A_229, %get3A_230] {strides = array<i32>} : memref<16x1x128xi32, #tpu.memory_space<vmem>>, vector<16xi32>,
    %add3A_232 = arith.addi %add3A_225, %get3A_231 : vector<16xi32>
    %get3A_233 = arith.constant 12 : i32
    %get3A_234 = arith.constant 0 : i32
    %get3A_235 = arith.index_cast %get3A_233 : i32 to index
    %get3A_236 = arith.index_cast %get3A_234 : i32 to index
    %get3A_237 = arith.constant 16 : index
    %get3A_238 = tpu.vector_load %arg6[%get3A_235, %get3A_236, %get3A_237] {strides = array<i32>} : memref<16x1x128xi32, #tpu.memory_space<vmem>>, vector<16xi32>,
    %add3A_239 = arith.addi %add3A_232, %get3A_238 : vector<16xi32>
    %get3A_240 = arith.constant 13 : i32
    %get3A_241 = arith.constant 0 : i32
    %get3A_242 = arith.index_cast %get3A_240 : i32 to index
    %get3A_243 = arith.index_cast %get3A_241 : i32 to index
    %get3A_244 = arith.constant 16 : index
    %get3A_245 = tpu.vector_load %arg6[%get3A_242, %get3A_243, %get3A_244] {strides = array<i32>} : memref<16x1x128xi32, #tpu.memory_space<vmem>>, vector<16xi32>,
    %add3A_246 = arith.addi %add3A_239, %get3A_245 : vector<16xi32>
    %get3A_247 = arith.constant 14 : i32
    %get3A_248 = arith.constant 0 : i32
    %get3A_249 = arith.index_cast %get3A_247 : i32 to index
    %get3A_250 = arith.index_cast %get3A_248 : i32 to index
    %get3A_251 = arith.constant 16 : index
    %get3A_252 = tpu.vector_load %arg6[%get3A_249, %get3A_250, %get3A_251] {strides = array<i32>} : memref<16x1x128xi32, #tpu.memory_space<vmem>>, vector<16xi32>,
    %add3A_253 = arith.addi %add3A_246, %get3A_252 : vector<16xi32>
    %get3A_254 = arith.constant 15 : i32
    %get3A_255 = arith.constant 0 : i32
    %get3A_256 = arith.index_cast %get3A_254 : i32 to index
    %get3A_257 = arith.index_cast %get3A_255 : i32 to index
    %get3A_258 = arith.constant 16 : index
    %get3A_259 = tpu.vector_load %arg6[%get3A_256, %get3A_257, %get3A_258] {strides = array<i32>} : memref<16x1x128xi32, #tpu.memory_space<vmem>>, vector<16xi32>,
    %add3A_260 = arith.addi %add3A_253, %get3A_259 : vector<16xi32>
    %swap3A_261 = arith.constant 0 : i32
    %swap3A_262 = arith.index_cast %swap3A_261 : i32 to index
    %swap3A_263 = arith.constant 16 : index
    %swap3A_264 = tpu.vector_load %arg5[%swap3A_262, %swap3A_263] {strides = array<i32>} : memref<1x2048xi32, #tpu.memory_space<vmem>>, vector<16xi32>,
    tpu.vector_store %arg5[%swap3A_262, %swap3A_263], %add3A_260 {strides = array<i32>} : memref<1x2048xi32, #tpu.memory_space<vmem>>, vector<16xi32>,
    %get3A_265 = arith.constant 0 : i32
    %get3A_266 = arith.constant 0 : i32
    %get3A_267 = arith.index_cast %get3A_265 : i32 to index
    %get3A_268 = arith.index_cast %get3A_266 : i32 to index
    %get3A_269 = arith.constant 32 : index
    %get3A_270 = tpu.vector_load %arg6[%get3A_267, %get3A_268, %get3A_269] {strides = array<i32>} : memref<16x1x128xi32, #tpu.memory_space<vmem>>, vector<16xi32>,
    %add3A_271 = arith.addi %broadcast_in_dim3A_0, %get3A_270 : vector<16xi32>
    %get3A_272 = arith.constant 1 : i32
    %get3A_273 = arith.constant 0 : i32
    %get3A_274 = arith.index_cast %get3A_272 : i32 to index
    %get3A_275 = arith.index_cast %get3A_273 : i32 to index
    %get3A_276 = arith.constant 32 : index
    %get3A_277 = tpu.vector_load %arg6[%get3A_274, %get3A_275, %get3A_276] {strides = array<i32>} : memref<16x1x128xi32, #tpu.memory_space<vmem>>, vector<16xi32>,
    %add3A_278 = arith.addi %add3A_271, %get3A_277 : vector<16xi32>
    %get3A_279 = arith.constant 2 : i32
    %get3A_280 = arith.constant 0 : i32
    %get3A_281 = arith.index_cast %get3A_279 : i32 to index
    %get3A_282 = arith.index_cast %get3A_280 : i32 to index
    %get3A_283 = arith.constant 32 : index
    %get3A_284 = tpu.vector_load %arg6[%get3A_281, %get3A_282, %get3A_283] {strides = array<i32>} : memref<16x1x128xi32, #tpu.memory_space<vmem>>, vector<16xi32>,
    %add3A_285 = arith.addi %add3A_278, %get3A_284 : vector<16xi32>
    %get3A_286 = arith.constant 3 : i32
    %get3A_287 = arith.constant 0 : i32
    %get3A_288 = arith.index_cast %get3A_286 : i32 to index
    %get3A_289 = arith.index_cast %get3A_287 : i32 to index
    %get3A_290 = arith.constant 32 : index
    %get3A_291 = tpu.vector_load %arg6[%get3A_288, %get3A_289, %get3A_290] {strides = array<i32>} : memref<16x1x128xi32, #tpu.memory_space<vmem>>, vector<16xi32>,
    %add3A_292 = arith.addi %add3A_285, %get3A_291 : vector<16xi32>
    %get3A_293 = arith.constant 4 : i32
    %get3A_294 = arith.constant 0 : i32
    %get3A_295 = arith.index_cast %get3A_293 : i32 to index
    %get3A_296 = arith.index_cast %get3A_294 : i32 to index
    %get3A_297 = arith.constant 32 : index
    %get3A_298 = tpu.vector_load %arg6[%get3A_295, %get3A_296, %get3A_297] {strides = array<i32>} : memref<16x1x128xi32, #tpu.memory_space<vmem>>, vector<16xi32>,
    %add3A_299 = arith.addi %add3A_292, %get3A_298 : vector<16xi32>
    %get3A_300 = arith.constant 5 : i32
    %get3A_301 = arith.constant 0 : i32
    %get3A_302 = arith.index_cast %get3A_300 : i32 to index
    %get3A_303 = arith.index_cast %get3A_301 : i32 to index
    %get3A_304 = arith.constant 32 : index
    %get3A_305 = tpu.vector_load %arg6[%get3A_302, %get3A_303, %get3A_304] {strides = array<i32>} : memref<16x1x128xi32, #tpu.memory_space<vmem>>, vector<16xi32>,
    %add3A_306 = arith.addi %add3A_299, %get3A_305 : vector<16xi32>
    %get3A_307 = arith.constant 6 : i32
    %get3A_308 = arith.constant 0 : i32
    %get3A_309 = arith.index_cast %get3A_307 : i32 to index
    %get3A_310 = arith.index_cast %get3A_308 : i32 to index
    %get3A_311 = arith.constant 32 : index
    %get3A_312 = tpu.vector_load %arg6[%get3A_309, %get3A_310, %get3A_311] {strides = array<i32>} : memref<16x1x128xi32, #tpu.memory_space<vmem>>, vector<16xi32>,
    %add3A_313 = arith.addi %add3A_306, %get3A_312 : vector<16xi32>
    %get3A_314 = arith.constant 7 : i32
    %get3A_315 = arith.constant 0 : i32
    %get3A_316 = arith.index_cast %get3A_314 : i32 to index
    %get3A_317 = arith.index_cast %get3A_315 : i32 to index
    %get3A_318 = arith.constant 32 : index
    %get3A_319 = tpu.vector_load %arg6[%get3A_316, %get3A_317, %get3A_318] {strides = array<i32>} : memref<16x1x128xi32, #tpu.memory_space<vmem>>, vector<16xi32>,
    %add3A_320 = arith.addi %add3A_313, %get3A_319 : vector<16xi32>
    %get3A_321 = arith.constant 8 : i32
    %get3A_322 = arith.constant 0 : i32
    %get3A_323 = arith.index_cast %get3A_321 : i32 to index
    %get3A_324 = arith.index_cast %get3A_322 : i32 to index
    %get3A_325 = arith.constant 32 : index
    %get3A_326 = tpu.vector_load %arg6[%get3A_323, %get3A_324, %get3A_325] {strides = array<i32>} : memref<16x1x128xi32, #tpu.memory_space<vmem>>, vector<16xi32>,
    %add3A_327 = arith.addi %add3A_320, %get3A_326 : vector<16xi32>
    %get3A_328 = arith.constant 9 : i32
    %get3A_329 = arith.constant 0 : i32
    %get3A_330 = arith.index_cast %get3A_328 : i32 to index
    %get3A_331 = arith.index_cast %get3A_329 : i32 to index
    %get3A_332 = arith.constant 32 : index
    %get3A_333 = tpu.vector_load %arg6[%get3A_330, %get3A_331, %get3A_332] {strides = array<i32>} : memref<16x1x128xi32, #tpu.memory_space<vmem>>, vector<16xi32>,
    %add3A_334 = arith.addi %add3A_327, %get3A_333 : vector<16xi32>
    %get3A_335 = arith.constant 10 : i32
    %get3A_336 = arith.constant 0 : i32
    %get3A_337 = arith.index_cast %get3A_335 : i32 to index
    %get3A_338 = arith.index_cast %get3A_336 : i32 to index
    %get3A_339 = arith.constant 32 : index
    %get3A_340 = tpu.vector_load %arg6[%get3A_337, %get3A_338, %get3A_339] {strides = array<i32>} : memref<16x1x128xi32, #tpu.memory_space<vmem>>, vector<16xi32>,
    %add3A_341 = arith.addi %add3A_334, %get3A_340 : vector<16xi32>
    %get3A_342 = arith.constant 11 : i32
    %get3A_343 = arith.constant 0 : i32
    %get3A_344 = arith.index_cast %get3A_342 : i32 to index
    %get3A_345 = arith.index_cast %get3A_343 : i32 to index
    %get3A_346 = arith.constant 32 : index
    %get3A_347 = tpu.vector_load %arg6[%get3A_344, %get3A_345, %get3A_346] {strides = array<i32>} : memref<16x1x128xi32, #tpu.memory_space<vmem>>, vector<16xi32>,
    %add3A_348 = arith.addi %add3A_341, %get3A_347 : vector<16xi32>
    %get3A_349 = arith.constant 12 : i32
    %get3A_350 = arith.constant 0 : i32
    %get3A_351 = arith.index_cast %get3A_349 : i32 to index
    %get3A_352 = arith.index_cast %get3A_350 : i32 to index
    %get3A_353 = arith.constant 32 : index
    %get3A_354 = tpu.vector_load %arg6[%get3A_351, %get3A_352, %get3A_353] {strides = array<i32>} : memref<16x1x128xi32, #tpu.memory_space<vmem>>, vector<16xi32>,
    %add3A_355 = arith.addi %add3A_348, %get3A_354 : vector<16xi32>
    %get3A_356 = arith.constant 13 : i32
    %get3A_357 = arith.constant 0 : i32
    %get3A_358 = arith.index_cast %get3A_356 : i32 to index
    %get3A_359 = arith.index_cast %get3A_357 : i32 to index
    %get3A_360 = arith.constant 32 : index
    %get3A_361 = tpu.vector_load %arg6[%get3A_358, %get3A_359, %get3A_360] {strides = array<i32>} : memref<16x1x128xi32, #tpu.memory_space<vmem>>, vector<16xi32>,
    %add3A_362 = arith.addi %add3A_355, %get3A_361 : vector<16xi32>
    %get3A_363 = arith.constant 14 : i32
    %get3A_364 = arith.constant 0 : i32
    %get3A_365 = arith.index_cast %get3A_363 : i32 to index
    %get3A_366 = arith.index_cast %get3A_364 : i32 to index
    %get3A_367 = arith.constant 32 : index
    %get3A_368 = tpu.vector_load %arg6[%get3A_365, %get3A_366, %get3A_367] {strides = array<i32>} : memref<16x1x128xi32, #tpu.memory_space<vmem>>, vector<16xi32>,
    %add3A_369 = arith.addi %add3A_362, %get3A_368 : vector<16xi32>
    %get3A_370 = arith.constant 15 : i32
    %get3A_371 = arith.constant 0 : i32
    %get3A_372 = arith.index_cast %get3A_370 : i32 to index
    %get3A_373 = arith.index_cast %get3A_371 : i32 to index
    %get3A_374 = arith.constant 32 : index
    %get3A_375 = tpu.vector_load %arg6[%get3A_372, %get3A_373, %get3A_374] {strides = array<i32>} : memref<16x1x128xi32, #tpu.memory_space<vmem>>, vector<16xi32>,
    %add3A_376 = arith.addi %add3A_369, %get3A_375 : vector<16xi32>
    %swap3A_377 = arith.constant 0 : i32
    %swap3A_378 = arith.index_cast %swap3A_377 : i32 to index
    %swap3A_379 = arith.constant 32 : index
    %swap3A_380 = tpu.vector_load %arg5[%swap3A_378, %swap3A_379] {strides = array<i32>} : memref<1x2048xi32, #tpu.memory_space<vmem>>, vector<16xi32>,
    tpu.vector_store %arg5[%swap3A_378, %swap3A_379], %add3A_376 {strides = array<i32>} : memref<1x2048xi32, #tpu.memory_space<vmem>>, vector<16xi32>,
    %get3A_381 = arith.constant 0 : i32
    %get3A_382 = arith.constant 0 : i32
    %get3A_383 = arith.index_cast %get3A_381 : i32 to index
    %get3A_384 = arith.index_cast %get3A_382 : i32 to index
    %get3A_385 = arith.constant 48 : index
    %get3A_386 = tpu.vector_load %arg6[%get3A_383, %get3A_384, %get3A_385] {strides = array<i32>} : memref<16x1x128xi32, #tpu.memory_space<vmem>>, vector<16xi32>,
    %add3A_387 = arith.addi %broadcast_in_dim3A_0, %get3A_386 : vector<16xi32>
    %get3A_388 = arith.constant 1 : i32
    %get3A_389 = arith.constant 0 : i32
    %get3A_390 = arith.index_cast %get3A_388 : i32 to index
    %get3A_391 = arith.index_cast %get3A_389 : i32 to index
    %get3A_392 = arith.constant 48 : index
    %get3A_393 = tpu.vector_load %arg6[%get3A_390, %get3A_391, %get3A_392] {strides = array<i32>} : memref<16x1x128xi32, #tpu.memory_space<vmem>>, vector<16xi32>,
    %add3A_394 = arith.addi %add3A_387, %get3A_393 : vector<16xi32>
    %get3A_395 = arith.constant 2 : i32
    %get3A_396 = arith.constant 0 : i32
    %get3A_397 = arith.index_cast %get3A_395 : i32 to index
    %get3A_398 = arith.index_cast %get3A_396 : i32 to index
    %get3A_399 = arith.constant 48 : index
    %get3A_400 = tpu.vector_load %arg6[%get3A_397, %get3A_398, %get3A_399] {strides = array<i32>} : memref<16x1x128xi32, #tpu.memory_space<vmem>>, vector<16xi32>,
    %add3A_401 = arith.addi %add3A_394, %get3A_400 : vector<16xi32>
    %get3A_402 = arith.constant 3 : i32
    %get3A_403 = arith.constant 0 : i32
    %get3A_404 = arith.index_cast %get3A_402 : i32 to index
    %get3A_405 = arith.index_cast %get3A_403 : i32 to index
    %get3A_406 = arith.constant 48 : index
    %get3A_407 = tpu.vector_load %arg6[%get3A_404, %get3A_405, %get3A_406] {strides = array<i32>} : memref<16x1x128xi32, #tpu.memory_space<vmem>>, vector<16xi32>,
    %add3A_408 = arith.addi %add3A_401, %get3A_407 : vector<16xi32>
    %get3A_409 = arith.constant 4 : i32
    %get3A_410 = arith.constant 0 : i32
    %get3A_411 = arith.index_cast %get3A_409 : i32 to index
    %get3A_412 = arith.index_cast %get3A_410 : i32 to index
    %get3A_413 = arith.constant 48 : index
    %get3A_414 = tpu.vector_load %arg6[%get3A_411, %get3A_412, %get3A_413] {strides = array<i32>} : memref<16x1x128xi32, #tpu.memory_space<vmem>>, vector<16xi32>,
    %add3A_415 = arith.addi %add3A_408, %get3A_414 : vector<16xi32>
    %get3A_416 = arith.constant 5 : i32
    %get3A_417 = arith.constant 0 : i32
    %get3A_418 = arith.index_cast %get3A_416 : i32 to index
    %get3A_419 = arith.index_cast %get3A_417 : i32 to index
    %get3A_420 = arith.constant 48 : index
    %get3A_421 = tpu.vector_load %arg6[%get3A_418, %get3A_419, %get3A_420] {strides = array<i32>} : memref<16x1x128xi32, #tpu.memory_space<vmem>>, vector<16xi32>,
    %add3A_422 = arith.addi %add3A_415, %get3A_421 : vector<16xi32>
    %get3A_423 = arith.constant 6 : i32
    %get3A_424 = arith.constant 0 : i32
    %get3A_425 = arith.index_cast %get3A_423 : i32 to index
    %get3A_426 = arith.index_cast %get3A_424 : i32 to index
    %get3A_427 = arith.constant 48 : index
    %get3A_428 = tpu.vector_load %arg6[%get3A_425, %get3A_426, %get3A_427] {strides = array<i32>} : memref<16x1x128xi32, #tpu.memory_space<vmem>>, vector<16xi32>,
    %add3A_429 = arith.addi %add3A_422, %get3A_428 : vector<16xi32>
    %get3A_430 = arith.constant 7 : i32
    %get3A_431 = arith.constant 0 : i32
    %get3A_432 = arith.index_cast %get3A_430 : i32 to index
    %get3A_433 = arith.index_cast %get3A_431 : i32 to index
    %get3A_434 = arith.constant 48 : index
    %get3A_435 = tpu.vector_load %arg6[%get3A_432, %get3A_433, %get3A_434] {strides = array<i32>} : memref<16x1x128xi32, #tpu.memory_space<vmem>>, vector<16xi32>,
    %add3A_436 = arith.addi %add3A_429, %get3A_435 : vector<16xi32>
    %get3A_437 = arith.constant 8 : i32
    %get3A_438 = arith.constant 0 : i32
    %get3A_439 = arith.index_cast %get3A_437 : i32 to index
    %get3A_440 = arith.index_cast %get3A_438 : i32 to index
    %get3A_441 = arith.constant 48 : index
    %get3A_442 = tpu.vector_load %arg6[%get3A_439, %get3A_440, %get3A_441] {strides = array<i32>} : memref<16x1x128xi32, #tpu.memory_space<vmem>>, vector<16xi32>,
    %add3A_443 = arith.addi %add3A_436, %get3A_442 : vector<16xi32>
    %get3A_444 = arith.constant 9 : i32
    %get3A_445 = arith.constant 0 : i32
    %get3A_446 = arith.index_cast %get3A_444 : i32 to index
    %get3A_447 = arith.index_cast %get3A_445 : i32 to index
    %get3A_448 = arith.constant 48 : index
    %get3A_449 = tpu.vector_load %arg6[%get3A_446, %get3A_447, %get3A_448] {strides = array<i32>} : memref<16x1x128xi32, #tpu.memory_space<vmem>>, vector<16xi32>,
    %add3A_450 = arith.addi %add3A_443, %get3A_449 : vector<16xi32>
    %get3A_451 = arith.constant 10 : i32
    %get3A_452 = arith.constant 0 : i32
    %get3A_453 = arith.index_cast %get3A_451 : i32 to index
    %get3A_454 = arith.index_cast %get3A_452 : i32 to index
    %get3A_455 = arith.constant 48 : index
    %get3A_456 = tpu.vector_load %arg6[%get3A_453, %get3A_454, %get3A_455] {strides = array<i32>} : memref<16x1x128xi32, #tpu.memory_space<vmem>>, vector<16xi32>,
    %add3A_457 = arith.addi %add3A_450, %get3A_456 : vector<16xi32>
    %get3A_458 = arith.constant 11 : i32
    %get3A_459 = arith.constant 0 : i32
    %get3A_460 = arith.index_cast %get3A_458 : i32 to index
    %get3A_461 = arith.index_cast %get3A_459 : i32 to index
    %get3A_462 = arith.constant 48 : index
    %get3A_463 = tpu.vector_load %arg6[%get3A_460, %get3A_461, %get3A_462] {strides = array<i32>} : memref<16x1x128xi32, #tpu.memory_space<vmem>>, vector<16xi32>,
    %add3A_464 = arith.addi %add3A_457, %get3A_463 : vector<16xi32>
    %get3A_465 = arith.constant 12 : i32
    %get3A_466 = arith.constant 0 : i32
    %get3A_467 = arith.index_cast %get3A_465 : i32 to index
    %get3A_468 = arith.index_cast %get3A_466 : i32 to index
    %get3A_469 = arith.constant 48 : index
    %get3A_470 = tpu.vector_load %arg6[%get3A_467, %get3A_468, %get3A_469] {strides = array<i32>} : memref<16x1x128xi32, #tpu.memory_space<vmem>>, vector<16xi32>,
    %add3A_471 = arith.addi %add3A_464, %get3A_470 : vector<16xi32>
    %get3A_472 = arith.constant 13 : i32
    %get3A_473 = arith.constant 0 : i32
    %get3A_474 = arith.index_cast %get3A_472 : i32 to index
    %get3A_475 = arith.index_cast %get3A_473 : i32 to index
    %get3A_476 = arith.constant 48 : index
    %get3A_477 = tpu.vector_load %arg6[%get3A_474, %get3A_475, %get3A_476] {strides = array<i32>} : memref<16x1x128xi32, #tpu.memory_space<vmem>>, vector<16xi32>,
    %add3A_478 = arith.addi %add3A_471, %get3A_477 : vector<16xi32>
    %get3A_479 = arith.constant 14 : i32
    %get3A_480 = arith.constant 0 : i32
    %get3A_481 = arith.index_cast %get3A_479 : i32 to index
    %get3A_482 = arith.index_cast %get3A_480 : i32 to index
    %get3A_483 = arith.constant 48 : index
    %get3A_484 = tpu.vector_load %arg6[%get3A_481, %get3A_482, %get3A_483] {strides = array<i32>} : memref<16x1x128xi32, #tpu.memory_space<vmem>>, vector<16xi32>,
    %add3A_485 = arith.addi %add3A_478, %get3A_484 : vector<16xi32>
    %get3A_486 = arith.constant 15 : i32
    %get3A_487 = arith.constant 0 : i32
    %get3A_488 = arith.index_cast %get3A_486 : i32 to index
    %get3A_489 = arith.index_cast %get3A_487 : i32 to index
    %get3A_490 = arith.constant 48 : index
    %get3A_491 = tpu.vector_load %arg6[%get3A_488, %get3A_489, %get3A_490] {strides = array<i32>} : memref<16x1x128xi32, #tpu.memory_space<vmem>>, vector<16xi32>,
    %add3A_492 = arith.addi %add3A_485, %get3A_491 : vector<16xi32>
    %swap3A_493 = arith.constant 0 : i32
    %swap3A_494 = arith.index_cast %swap3A_493 : i32 to index
    %swap3A_495 = arith.constant 48 : index
    %swap3A_496 = tpu.vector_load %arg5[%swap3A_494, %swap3A_495] {strides = array<i32>} : memref<1x2048xi32, #tpu.memory_space<vmem>>, vector<16xi32>,
    tpu.vector_store %arg5[%swap3A_494, %swap3A_495], %add3A_492 {strides = array<i32>} : memref<1x2048xi32, #tpu.memory_space<vmem>>, vector<16xi32>,
    %get3A_497 = arith.constant 0 : i32
    %get3A_498 = arith.constant 0 : i32
    %get3A_499 = arith.index_cast %get3A_497 : i32 to index
    %get3A_500 = arith.index_cast %get3A_498 : i32 to index
    %get3A_501 = arith.constant 64 : index
    %get3A_502 = tpu.vector_load %arg6[%get3A_499, %get3A_500, %get3A_501] {strides = array<i32>} : memref<16x1x128xi32, #tpu.memory_space<vmem>>, vector<16xi32>,
    %add3A_503 = arith.addi %broadcast_in_dim3A_0, %get3A_502 : vector<16xi32>
    %get3A_504 = arith.constant 1 : i32
    %get3A_505 = arith.constant 0 : i32
    %get3A_506 = arith.index_cast %get3A_504 : i32 to index
    %get3A_507 = arith.index_cast %get3A_505 : i32 to index
    %get3A_508 = arith.constant 64 : index
    %get3A_509 = tpu.vector_load %arg6[%get3A_506, %get3A_507, %get3A_508] {strides = array<i32>} : memref<16x1x128xi32, #tpu.memory_space<vmem>>, vector<16xi32>,
    %add3A_510 = arith.addi %add3A_503, %get3A_509 : vector<16xi32>
    %get3A_511 = arith.constant 2 : i32
    %get3A_512 = arith.constant 0 : i32
    %get3A_513 = arith.index_cast %get3A_511 : i32 to index
    %get3A_514 = arith.index_cast %get3A_512 : i32 to index
    %get3A_515 = arith.constant 64 : index
    %get3A_516 = tpu.vector_load %arg6[%get3A_513, %get3A_514, %get3A_515] {strides = array<i32>} : memref<16x1x128xi32, #tpu.memory_space<vmem>>, vector<16xi32>,
    %add3A_517 = arith.addi %add3A_510, %get3A_516 : vector<16xi32>
    %get3A_518 = arith.constant 3 : i32
    %get3A_519 = arith.constant 0 : i32
    %get3A_520 = arith.index_cast %get3A_518 : i32 to index
    %get3A_521 = arith.index_cast %get3A_519 : i32 to index
    %get3A_522 = arith.constant 64 : index
    %get3A_523 = tpu.vector_load %arg6[%get3A_520, %get3A_521, %get3A_522] {strides = array<i32>} : memref<16x1x128xi32, #tpu.memory_space<vmem>>, vector<16xi32>,
    %add3A_524 = arith.addi %add3A_517, %get3A_523 : vector<16xi32>
    %get3A_525 = arith.constant 4 : i32
    %get3A_526 = arith.constant 0 : i32
    %get3A_527 = arith.index_cast %get3A_525 : i32 to index
    %get3A_528 = arith.index_cast %get3A_526 : i32 to index
    %get3A_529 = arith.constant 64 : index
    %get3A_530 = tpu.vector_load %arg6[%get3A_527, %get3A_528, %get3A_529] {strides = array<i32>} : memref<16x1x128xi32, #tpu.memory_space<vmem>>, vector<16xi32>,
    %add3A_531 = arith.addi %add3A_524, %get3A_530 : vector<16xi32>
    %get3A_532 = arith.constant 5 : i32
    %get3A_533 = arith.constant 0 : i32
    %get3A_534 = arith.index_cast %get3A_532 : i32 to index
    %get3A_535 = arith.index_cast %get3A_533 : i32 to index
    %get3A_536 = arith.constant 64 : index
    %get3A_537 = tpu.vector_load %arg6[%get3A_534, %get3A_535, %get3A_536] {strides = array<i32>} : memref<16x1x128xi32, #tpu.memory_space<vmem>>, vector<16xi32>,
    %add3A_538 = arith.addi %add3A_531, %get3A_537 : vector<16xi32>
    %get3A_539 = arith.constant 6 : i32
    %get3A_540 = arith.constant 0 : i32
    %get3A_541 = arith.index_cast %get3A_539 : i32 to index
    %get3A_542 = arith.index_cast %get3A_540 : i32 to index
    %get3A_543 = arith.constant 64 : index
    %get3A_544 = tpu.vector_load %arg6[%get3A_541, %get3A_542, %get3A_543] {strides = array<i32>} : memref<16x1x128xi32, #tpu.memory_space<vmem>>, vector<16xi32>,
    %add3A_545 = arith.addi %add3A_538, %get3A_544 : vector<16xi32>
    %get3A_546 = arith.constant 7 : i32
    %get3A_547 = arith.constant 0 : i32
    %get3A_548 = arith.index_cast %get3A_546 : i32 to index
    %get3A_549 = arith.index_cast %get3A_547 : i32 to index
    %get3A_550 = arith.constant 64 : index
    %get3A_551 = tpu.vector_load %arg6[%get3A_548, %get3A_549, %get3A_550] {strides = array<i32>} : memref<16x1x128xi32, #tpu.memory_space<vmem>>, vector<16xi32>,
    %add3A_552 = arith.addi %add3A_545, %get3A_551 : vector<16xi32>
    %get3A_553 = arith.constant 8 : i32
    %get3A_554 = arith.constant 0 : i32
    %get3A_555 = arith.index_cast %get3A_553 : i32 to index
    %get3A_556 = arith.index_cast %get3A_554 : i32 to index
    %get3A_557 = arith.constant 64 : index
    %get3A_558 = tpu.vector_load %arg6[%get3A_555, %get3A_556, %get3A_557] {strides = array<i32>} : memref<16x1x128xi32, #tpu.memory_space<vmem>>, vector<16xi32>,
    %add3A_559 = arith.addi %add3A_552, %get3A_558 : vector<16xi32>
    %get3A_560 = arith.constant 9 : i32
    %get3A_561 = arith.constant 0 : i32
    %get3A_562 = arith.index_cast %get3A_560 : i32 to index
    %get3A_563 = arith.index_cast %get3A_561 : i32 to index
    %get3A_564 = arith.constant 64 : index
    %get3A_565 = tpu.vector_load %arg6[%get3A_562, %get3A_563, %get3A_564] {strides = array<i32>} : memref<16x1x128xi32, #tpu.memory_space<vmem>>, vector<16xi32>,
    %add3A_566 = arith.addi %add3A_559, %get3A_565 : vector<16xi32>
    %get3A_567 = arith.constant 10 : i32
    %get3A_568 = arith.constant 0 : i32
    %get3A_569 = arith.index_cast %get3A_567 : i32 to index
    %get3A_570 = arith.index_cast %get3A_568 : i32 to index
    %get3A_571 = arith.constant 64 : index
    %get3A_572 = tpu.vector_load %arg6[%get3A_569, %get3A_570, %get3A_571] {strides = array<i32>} : memref<16x1x128xi32, #tpu.memory_space<vmem>>, vector<16xi32>,
    %add3A_573 = arith.addi %add3A_566, %get3A_572 : vector<16xi32>
    %get3A_574 = arith.constant 11 : i32
    %get3A_575 = arith.constant 0 : i32
    %get3A_576 = arith.index_cast %get3A_574 : i32 to index
    %get3A_577 = arith.index_cast %get3A_575 : i32 to index
    %get3A_578 = arith.constant 64 : index
    %get3A_579 = tpu.vector_load %arg6[%get3A_576, %get3A_577, %get3A_578] {strides = array<i32>} : memref<16x1x128xi32, #tpu.memory_space<vmem>>, vector<16xi32>,
    %add3A_580 = arith.addi %add3A_573, %get3A_579 : vector<16xi32>
    %get3A_581 = arith.constant 12 : i32
    %get3A_582 = arith.constant 0 : i32
    %get3A_583 = arith.index_cast %get3A_581 : i32 to index
    %get3A_584 = arith.index_cast %get3A_582 : i32 to index
    %get3A_585 = arith.constant 64 : index
    %get3A_586 = tpu.vector_load %arg6[%get3A_583, %get3A_584, %get3A_585] {strides = array<i32>} : memref<16x1x128xi32, #tpu.memory_space<vmem>>, vector<16xi32>,
    %add3A_587 = arith.addi %add3A_580, %get3A_586 : vector<16xi32>
    %get3A_588 = arith.constant 13 : i32
    %get3A_589 = arith.constant 0 : i32
    %get3A_590 = arith.index_cast %get3A_588 : i32 to index
    %get3A_591 = arith.index_cast %get3A_589 : i32 to index
    %get3A_592 = arith.constant 64 : index
    %get3A_593 = tpu.vector_load %arg6[%get3A_590, %get3A_591, %get3A_592] {strides = array<i32>} : memref<16x1x128xi32, #tpu.memory_space<vmem>>, vector<16xi32>,
    %add3A_594 = arith.addi %add3A_587, %get3A_593 : vector<16xi32>
    %get3A_595 = arith.constant 14 : i32
    %get3A_596 = arith.constant 0 : i32
    %get3A_597 = arith.index_cast %get3A_595 : i32 to index
    %get3A_598 = arith.index_cast %get3A_596 : i32 to index
    %get3A_599 = arith.constant 64 : index
    %get3A_600 = tpu.vector_load %arg6[%get3A_597, %get3A_598, %get3A_599] {strides = array<i32>} : memref<16x1x128xi32, #tpu.memory_space<vmem>>, vector<16xi32>,
    %add3A_601 = arith.addi %add3A_594, %get3A_600 : vector<16xi32>
    %get3A_602 = arith.constant 15 : i32
    %get3A_603 = arith.constant 0 : i32
    %get3A_604 = arith.index_cast %get3A_602 : i32 to index
    %get3A_605 = arith.index_cast %get3A_603 : i32 to index
    %get3A_606 = arith.constant 64 : index
    %get3A_607 = tpu.vector_load %arg6[%get3A_604, %get3A_605, %get3A_606] {strides = array<i32>} : memref<16x1x128xi32, #tpu.memory_space<vmem>>, vector<16xi32>,
    %add3A_608 = arith.addi %add3A_601, %get3A_607 : vector<16xi32>
    %swap3A_609 = arith.constant 0 : i32
    %swap3A_610 = arith.index_cast %swap3A_609 : i32 to index
    %swap3A_611 = arith.constant 64 : index
    %swap3A_612 = tpu.vector_load %arg5[%swap3A_610, %swap3A_611] {strides = array<i32>} : memref<1x2048xi32, #tpu.memory_space<vmem>>, vector<16xi32>,
    tpu.vector_store %arg5[%swap3A_610, %swap3A_611], %add3A_608 {strides = array<i32>} : memref<1x2048xi32, #tpu.memory_space<vmem>>, vector<16xi32>,
    %get3A_613 = arith.constant 0 : i32
    %get3A_614 = arith.constant 0 : i32
    %get3A_615 = arith.index_cast %get3A_613 : i32 to index
    %get3A_616 = arith.index_cast %get3A_614 : i32 to index
    %get3A_617 = arith.constant 80 : index
    %get3A_618 = tpu.vector_load %arg6[%get3A_615, %get3A_616, %get3A_617] {strides = array<i32>} : memref<16x1x128xi32, #tpu.memory_space<vmem>>, vector<16xi32>,
    %add3A_619 = arith.addi %broadcast_in_dim3A_0, %get3A_618 : vector<16xi32>
    %get3A_620 = arith.constant 1 : i32
    %get3A_621 = arith.constant 0 : i32
    %get3A_622 = arith.index_cast %get3A_620 : i32 to index
    %get3A_623 = arith.index_cast %get3A_621 : i32 to index
    %get3A_624 = arith.constant 80 : index
    %get3A_625 = tpu.vector_load %arg6[%get3A_622, %get3A_623, %get3A_624] {strides = array<i32>} : memref<16x1x128xi32, #tpu.memory_space<vmem>>, vector<16xi32>,
    %add3A_626 = arith.addi %add3A_619, %get3A_625 : vector<16xi32>
    %get3A_627 = arith.constant 2 : i32
    %get3A_628 = arith.constant 0 : i32
    %get3A_629 = arith.index_cast %get3A_627 : i32 to index
    %get3A_630 = arith.index_cast %get3A_628 : i32 to index
    %get3A_631 = arith.constant 80 : index
    %get3A_632 = tpu.vector_load %arg6[%get3A_629, %get3A_630, %get3A_631] {strides = array<i32>} : memref<16x1x128xi32, #tpu.memory_space<vmem>>, vector<16xi32>,
    %add3A_633 = arith.addi %add3A_626, %get3A_632 : vector<16xi32>
    %get3A_634 = arith.constant 3 : i32
    %get3A_635 = arith.constant 0 : i32
    %get3A_636 = arith.index_cast %get3A_634 : i32 to index
    %get3A_637 = arith.index_cast %get3A_635 : i32 to index
    %get3A_638 = arith.constant 80 : index
    %get3A_639 = tpu.vector_load %arg6[%get3A_636, %get3A_637, %get3A_638] {strides = array<i32>} : memref<16x1x128xi32, #tpu.memory_space<vmem>>, vector<16xi32>,
    %add3A_640 = arith.addi %add3A_633, %get3A_639 : vector<16xi32>
    %get3A_641 = arith.constant 4 : i32
    %get3A_642 = arith.constant 0 : i32
    %get3A_643 = arith.index_cast %get3A_641 : i32 to index
    %get3A_644 = arith.index_cast %get3A_642 : i32 to index
    %get3A_645 = arith.constant 80 : index
    %get3A_646 = tpu.vector_load %arg6[%get3A_643, %get3A_644, %get3A_645] {strides = array<i32>} : memref<16x1x128xi32, #tpu.memory_space<vmem>>, vector<16xi32>,
    %add3A_647 = arith.addi %add3A_640, %get3A_646 : vector<16xi32>
    %get3A_648 = arith.constant 5 : i32
    %get3A_649 = arith.constant 0 : i32
    %get3A_650 = arith.index_cast %get3A_648 : i32 to index
    %get3A_651 = arith.index_cast %get3A_649 : i32 to index
    %get3A_652 = arith.constant 80 : index
    %get3A_653 = tpu.vector_load %arg6[%get3A_650, %get3A_651, %get3A_652] {strides = array<i32>} : memref<16x1x128xi32, #tpu.memory_space<vmem>>, vector<16xi32>,
    %add3A_654 = arith.addi %add3A_647, %get3A_653 : vector<16xi32>
    %get3A_655 = arith.constant 6 : i32
    %get3A_656 = arith.constant 0 : i32
    %get3A_657 = arith.index_cast %get3A_655 : i32 to index
    %get3A_658 = arith.index_cast %get3A_656 : i32 to index
    %get3A_659 = arith.constant 80 : index
    %get3A_660 = tpu.vector_load %arg6[%get3A_657, %get3A_658, %get3A_659] {strides = array<i32>} : memref<16x1x128xi32, #tpu.memory_space<vmem>>, vector<16xi32>,
    %add3A_661 = arith.addi %add3A_654, %get3A_660 : vector<16xi32>
    %get3A_662 = arith.constant 7 : i32
    %get3A_663 = arith.constant 0 : i32
    %get3A_664 = arith.index_cast %get3A_662 : i32 to index
    %get3A_665 = arith.index_cast %get3A_663 : i32 to index
    %get3A_666 = arith.constant 80 : index
    %get3A_667 = tpu.vector_load %arg6[%get3A_664, %get3A_665, %get3A_666] {strides = array<i32>} : memref<16x1x128xi32, #tpu.memory_space<vmem>>, vector<16xi32>,
    %add3A_668 = arith.addi %add3A_661, %get3A_667 : vector<16xi32>
    %get3A_669 = arith.constant 8 : i32
    %get3A_670 = arith.constant 0 : i32
    %get3A_671 = arith.index_cast %get3A_669 : i32 to index
    %get3A_672 = arith.index_cast %get3A_670 : i32 to index
    %get3A_673 = arith.constant 80 : index
    %get3A_674 = tpu.vector_load %arg6[%get3A_671, %get3A_672, %get3A_673] {strides = array<i32>} : memref<16x1x128xi32, #tpu.memory_space<vmem>>, vector<16xi32>,
    %add3A_675 = arith.addi %add3A_668, %get3A_674 : vector<16xi32>
    %get3A_676 = arith.constant 9 : i32
    %get3A_677 = arith.constant 0 : i32
    %get3A_678 = arith.index_cast %get3A_676 : i32 to index
    %get3A_679 = arith.index_cast %get3A_677 : i32 to index
    %get3A_680 = arith.constant 80 : index
    %get3A_681 = tpu.vector_load %arg6[%get3A_678, %get3A_679, %get3A_680] {strides = array<i32>} : memref<16x1x128xi32, #tpu.memory_space<vmem>>, vector<16xi32>,
    %add3A_682 = arith.addi %add3A_675, %get3A_681 : vector<16xi32>
    %get3A_683 = arith.constant 10 : i32
    %get3A_684 = arith.constant 0 : i32
    %get3A_685 = arith.index_cast %get3A_683 : i32 to index
    %get3A_686 = arith.index_cast %get3A_684 : i32 to index
    %get3A_687 = arith.constant 80 : index
    %get3A_688 = tpu.vector_load %arg6[%get3A_685, %get3A_686, %get3A_687] {strides = array<i32>} : memref<16x1x128xi32, #tpu.memory_space<vmem>>, vector<16xi32>,
    %add3A_689 = arith.addi %add3A_682, %get3A_688 : vector<16xi32>
    %get3A_690 = arith.constant 11 : i32
    %get3A_691 = arith.constant 0 : i32
    %get3A_692 = arith.index_cast %get3A_690 : i32 to index
    %get3A_693 = arith.index_cast %get3A_691 : i32 to index
    %get3A_694 = arith.constant 80 : index
    %get3A_695 = tpu.vector_load %arg6[%get3A_692, %get3A_693, %get3A_694] {strides = array<i32>} : memref<16x1x128xi32, #tpu.memory_space<vmem>>, vector<16xi32>,
    %add3A_696 = arith.addi %add3A_689, %get3A_695 : vector<16xi32>
    %get3A_697 = arith.constant 12 : i32
    %get3A_698 = arith.constant 0 : i32
    %get3A_699 = arith.index_cast %get3A_697 : i32 to index
    %get3A_700 = arith.index_cast %get3A_698 : i32 to index
    %get3A_701 = arith.constant 80 : index
    %get3A_702 = tpu.vector_load %arg6[%get3A_699, %get3A_700, %get3A_701] {strides = array<i32>} : memref<16x1x128xi32, #tpu.memory_space<vmem>>, vector<16xi32>,
    %add3A_703 = arith.addi %add3A_696, %get3A_702 : vector<16xi32>
    %get3A_704 = arith.constant 13 : i32
    %get3A_705 = arith.constant 0 : i32
    %get3A_706 = arith.index_cast %get3A_704 : i32 to index
    %get3A_707 = arith.index_cast %get3A_705 : i32 to index
    %get3A_708 = arith.constant 80 : index
    %get3A_709 = tpu.vector_load %arg6[%get3A_706, %get3A_707, %get3A_708] {strides = array<i32>} : memref<16x1x128xi32, #tpu.memory_space<vmem>>, vector<16xi32>,
    %add3A_710 = arith.addi %add3A_703, %get3A_709 : vector<16xi32>
    %get3A_711 = arith.constant 14 : i32
    %get3A_712 = arith.constant 0 : i32
    %get3A_713 = arith.index_cast %get3A_711 : i32 to index
    %get3A_714 = arith.index_cast %get3A_712 : i32 to index
    %get3A_715 = arith.constant 80 : index
    %get3A_716 = tpu.vector_load %arg6[%get3A_713, %get3A_714, %get3A_715] {strides = array<i32>} : memref<16x1x128xi32, #tpu.memory_space<vmem>>, vector<16xi32>,
    %add3A_717 = arith.addi %add3A_710, %get3A_716 : vector<16xi32>
    %get3A_718 = arith.constant 15 : i32
    %get3A_719 = arith.constant 0 : i32
    %get3A_720 = arith.index_cast %get3A_718 : i32 to index
    %get3A_721 = arith.index_cast %get3A_719 : i32 to index
    %get3A_722 = arith.constant 80 : index
    %get3A_723 = tpu.vector_load %arg6[%get3A_720, %get3A_721, %get3A_722] {strides = array<i32>} : memref<16x1x128xi32, #tpu.memory_space<vmem>>, vector<16xi32>,
    %add3A_724 = arith.addi %add3A_717, %get3A_723 : vector<16xi32>
    %swap3A_725 = arith.constant 0 : i32
    %swap3A_726 = arith.index_cast %swap3A_725 : i32 to index
    %swap3A_727 = arith.constant 80 : index
    %swap3A_728 = tpu.vector_load %arg5[%swap3A_726, %swap3A_727] {strides = array<i32>} : memref<1x2048xi32, #tpu.memory_space<vmem>>, vector<16xi32>,
    tpu.vector_store %arg5[%swap3A_726, %swap3A_727], %add3A_724 {strides = array<i32>} : memref<1x2048xi32, #tpu.memory_space<vmem>>, vector<16xi32>,
    %get3A_729 = arith.constant 0 : i32
    %get3A_730 = arith.constant 0 : i32
    %get3A_731 = arith.index_cast %get3A_729 : i32 to index
    %get3A_732 = arith.index_cast %get3A_730 : i32 to index
    %get3A_733 = arith.constant 96 : index
    %get3A_734 = tpu.vector_load %arg6[%get3A_731, %get3A_732, %get3A_733] {strides = array<i32>} : memref<16x1x128xi32, #tpu.memory_space<vmem>>, vector<16xi32>,
    %add3A_735 = arith.addi %broadcast_in_dim3A_0, %get3A_734 : vector<16xi32>
    %get3A_736 = arith.constant 1 : i32
    %get3A_737 = arith.constant 0 : i32
    %get3A_738 = arith.index_cast %get3A_736 : i32 to index
    %get3A_739 = arith.index_cast %get3A_737 : i32 to index
    %get3A_740 = arith.constant 96 : index
    %get3A_741 = tpu.vector_load %arg6[%get3A_738, %get3A_739, %get3A_740] {strides = array<i32>} : memref<16x1x128xi32, #tpu.memory_space<vmem>>, vector<16xi32>,
    %add3A_742 = arith.addi %add3A_735, %get3A_741 : vector<16xi32>
    %get3A_743 = arith.constant 2 : i32
    %get3A_744 = arith.constant 0 : i32
    %get3A_745 = arith.index_cast %get3A_743 : i32 to index
    %get3A_746 = arith.index_cast %get3A_744 : i32 to index
    %get3A_747 = arith.constant 96 : index
    %get3A_748 = tpu.vector_load %arg6[%get3A_745, %get3A_746, %get3A_747] {strides = array<i32>} : memref<16x1x128xi32, #tpu.memory_space<vmem>>, vector<16xi32>,
    %add3A_749 = arith.addi %add3A_742, %get3A_748 : vector<16xi32>
    %get3A_750 = arith.constant 3 : i32
    %get3A_751 = arith.constant 0 : i32
    %get3A_752 = arith.index_cast %get3A_750 : i32 to index
    %get3A_753 = arith.index_cast %get3A_751 : i32 to index
    %get3A_754 = arith.constant 96 : index
    %get3A_755 = tpu.vector_load %arg6[%get3A_752, %get3A_753, %get3A_754] {strides = array<i32>} : memref<16x1x128xi32, #tpu.memory_space<vmem>>, vector<16xi32>,
    %add3A_756 = arith.addi %add3A_749, %get3A_755 : vector<16xi32>
    %get3A_757 = arith.constant 4 : i32
    %get3A_758 = arith.constant 0 : i32
    %get3A_759 = arith.index_cast %get3A_757 : i32 to index
    %get3A_760 = arith.index_cast %get3A_758 : i32 to index
    %get3A_761 = arith.constant 96 : index
    %get3A_762 = tpu.vector_load %arg6[%get3A_759, %get3A_760, %get3A_761] {strides = array<i32>} : memref<16x1x128xi32, #tpu.memory_space<vmem>>, vector<16xi32>,
    %add3A_763 = arith.addi %add3A_756, %get3A_762 : vector<16xi32>
    %get3A_764 = arith.constant 5 : i32
    %get3A_765 = arith.constant 0 : i32
    %get3A_766 = arith.index_cast %get3A_764 : i32 to index
    %get3A_767 = arith.index_cast %get3A_765 : i32 to index
    %get3A_768 = arith.constant 96 : index
    %get3A_769 = tpu.vector_load %arg6[%get3A_766, %get3A_767, %get3A_768] {strides = array<i32>} : memref<16x1x128xi32, #tpu.memory_space<vmem>>, vector<16xi32>,
    %add3A_770 = arith.addi %add3A_763, %get3A_769 : vector<16xi32>
    %get3A_771 = arith.constant 6 : i32
    %get3A_772 = arith.constant 0 : i32
    %get3A_773 = arith.index_cast %get3A_771 : i32 to index
    %get3A_774 = arith.index_cast %get3A_772 : i32 to index
    %get3A_775 = arith.constant 96 : index
    %get3A_776 = tpu.vector_load %arg6[%get3A_773, %get3A_774, %get3A_775] {strides = array<i32>} : memref<16x1x128xi32, #tpu.memory_space<vmem>>, vector<16xi32>,
    %add3A_777 = arith.addi %add3A_770, %get3A_776 : vector<16xi32>
    %get3A_778 = arith.constant 7 : i32
    %get3A_779 = arith.constant 0 : i32
    %get3A_780 = arith.index_cast %get3A_778 : i32 to index
    %get3A_781 = arith.index_cast %get3A_779 : i32 to index
    %get3A_782 = arith.constant 96 : index
    %get3A_783 = tpu.vector_load %arg6[%get3A_780, %get3A_781, %get3A_782] {strides = array<i32>} : memref<16x1x128xi32, #tpu.memory_space<vmem>>, vector<16xi32>,
    %add3A_784 = arith.addi %add3A_777, %get3A_783 : vector<16xi32>
    %get3A_785 = arith.constant 8 : i32
    %get3A_786 = arith.constant 0 : i32
    %get3A_787 = arith.index_cast %get3A_785 : i32 to index
    %get3A_788 = arith.index_cast %get3A_786 : i32 to index
    %get3A_789 = arith.constant 96 : index
    %get3A_790 = tpu.vector_load %arg6[%get3A_787, %get3A_788, %get3A_789] {strides = array<i32>} : memref<16x1x128xi32, #tpu.memory_space<vmem>>, vector<16xi32>,
    %add3A_791 = arith.addi %add3A_784, %get3A_790 : vector<16xi32>
    %get3A_792 = arith.constant 9 : i32
    %get3A_793 = arith.constant 0 : i32
    %get3A_794 = arith.index_cast %get3A_792 : i32 to index
    %get3A_795 = arith.index_cast %get3A_793 : i32 to index
    %get3A_796 = arith.constant 96 : index
    %get3A_797 = tpu.vector_load %arg6[%get3A_794, %get3A_795, %get3A_796] {strides = array<i32>} : memref<16x1x128xi32, #tpu.memory_space<vmem>>, vector<16xi32>,
    %add3A_798 = arith.addi %add3A_791, %get3A_797 : vector<16xi32>
    %get3A_799 = arith.constant 10 : i32
    %get3A_800 = arith.constant 0 : i32
    %get3A_801 = arith.index_cast %get3A_799 : i32 to index
    %get3A_802 = arith.index_cast %get3A_800 : i32 to index
    %get3A_803 = arith.constant 96 : index
    %get3A_804 = tpu.vector_load %arg6[%get3A_801, %get3A_802, %get3A_803] {strides = array<i32>} : memref<16x1x128xi32, #tpu.memory_space<vmem>>, vector<16xi32>,
    %add3A_805 = arith.addi %add3A_798, %get3A_804 : vector<16xi32>
    %get3A_806 = arith.constant 11 : i32
    %get3A_807 = arith.constant 0 : i32
    %get3A_808 = arith.index_cast %get3A_806 : i32 to index
    %get3A_809 = arith.index_cast %get3A_807 : i32 to index
    %get3A_810 = arith.constant 96 : index
    %get3A_811 = tpu.vector_load %arg6[%get3A_808, %get3A_809, %get3A_810] {strides = array<i32>} : memref<16x1x128xi32, #tpu.memory_space<vmem>>, vector<16xi32>,
    %add3A_812 = arith.addi %add3A_805, %get3A_811 : vector<16xi32>
    %get3A_813 = arith.constant 12 : i32
    %get3A_814 = arith.constant 0 : i32
    %get3A_815 = arith.index_cast %get3A_813 : i32 to index
    %get3A_816 = arith.index_cast %get3A_814 : i32 to index
    %get3A_817 = arith.constant 96 : index
    %get3A_818 = tpu.vector_load %arg6[%get3A_815, %get3A_816, %get3A_817] {strides = array<i32>} : memref<16x1x128xi32, #tpu.memory_space<vmem>>, vector<16xi32>,
    %add3A_819 = arith.addi %add3A_812, %get3A_818 : vector<16xi32>
    %get3A_820 = arith.constant 13 : i32
    %get3A_821 = arith.constant 0 : i32
    %get3A_822 = arith.index_cast %get3A_820 : i32 to index
    %get3A_823 = arith.index_cast %get3A_821 : i32 to index
    %get3A_824 = arith.constant 96 : index
    %get3A_825 = tpu.vector_load %arg6[%get3A_822, %get3A_823, %get3A_824] {strides = array<i32>} : memref<16x1x128xi32, #tpu.memory_space<vmem>>, vector<16xi32>,
    %add3A_826 = arith.addi %add3A_819, %get3A_825 : vector<16xi32>
    %get3A_827 = arith.constant 14 : i32
    %get3A_828 = arith.constant 0 : i32
    %get3A_829 = arith.index_cast %get3A_827 : i32 to index
    %get3A_830 = arith.index_cast %get3A_828 : i32 to index
    %get3A_831 = arith.constant 96 : index
    %get3A_832 = tpu.vector_load %arg6[%get3A_829, %get3A_830, %get3A_831] {strides = array<i32>} : memref<16x1x128xi32, #tpu.memory_space<vmem>>, vector<16xi32>,
    %add3A_833 = arith.addi %add3A_826, %get3A_832 : vector<16xi32>
    %get3A_834 = arith.constant 15 : i32
    %get3A_835 = arith.constant 0 : i32
    %get3A_836 = arith.index_cast %get3A_834 : i32 to index
    %get3A_837 = arith.index_cast %get3A_835 : i32 to index
    %get3A_838 = arith.constant 96 : index
    %get3A_839 = tpu.vector_load %arg6[%get3A_836, %get3A_837, %get3A_838] {strides = array<i32>} : memref<16x1x128xi32, #tpu.memory_space<vmem>>, vector<16xi32>,
    %add3A_840 = arith.addi %add3A_833, %get3A_839 : vector<16xi32>
    %swap3A_841 = arith.constant 0 : i32
    %swap3A_842 = arith.index_cast %swap3A_841 : i32 to index
    %swap3A_843 = arith.constant 96 : index
    %swap3A_844 = tpu.vector_load %arg5[%swap3A_842, %swap3A_843] {strides = array<i32>} : memref<1x2048xi32, #tpu.memory_space<vmem>>, vector<16xi32>,
    tpu.vector_store %arg5[%swap3A_842, %swap3A_843], %add3A_840 {strides = array<i32>} : memref<1x2048xi32, #tpu.memory_space<vmem>>, vector<16xi32>,
    %get3A_845 = arith.constant 0 : i32
    %get3A_846 = arith.constant 0 : i32
    %get3A_847 = arith.index_cast %get3A_845 : i32 to index
    %get3A_848 = arith.index_cast %get3A_846 : i32 to index
    %get3A_849 = arith.constant 112 : index
    %get3A_850 = tpu.vector_load %arg6[%get3A_847, %get3A_848, %get3A_849] {strides = array<i32>} : memref<16x1x128xi32, #tpu.memory_space<vmem>>, vector<16xi32>,
    %add3A_851 = arith.addi %broadcast_in_dim3A_0, %get3A_850 : vector<16xi32>
    %get3A_852 = arith.constant 1 : i32
    %get3A_853 = arith.constant 0 : i32
    %get3A_854 = arith.index_cast %get3A_852 : i32 to index
    %get3A_855 = arith.index_cast %get3A_853 : i32 to index
    %get3A_856 = arith.constant 112 : index
    %get3A_857 = tpu.vector_load %arg6[%get3A_854, %get3A_855, %get3A_856] {strides = array<i32>} : memref<16x1x128xi32, #tpu.memory_space<vmem>>, vector<16xi32>,
    %add3A_858 = arith.addi %add3A_851, %get3A_857 : vector<16xi32>
    %get3A_859 = arith.constant 2 : i32
    %get3A_860 = arith.constant 0 : i32
    %get3A_861 = arith.index_cast %get3A_859 : i32 to index
    %get3A_862 = arith.index_cast %get3A_860 : i32 to index
    %get3A_863 = arith.constant 112 : index
    %get3A_864 = tpu.vector_load %arg6[%get3A_861, %get3A_862, %get3A_863] {strides = array<i32>} : memref<16x1x128xi32, #tpu.memory_space<vmem>>, vector<16xi32>,
    %add3A_865 = arith.addi %add3A_858, %get3A_864 : vector<16xi32>
    %get3A_866 = arith.constant 3 : i32
    %get3A_867 = arith.constant 0 : i32
    %get3A_868 = arith.index_cast %get3A_866 : i32 to index
    %get3A_869 = arith.index_cast %get3A_867 : i32 to index
    %get3A_870 = arith.constant 112 : index
    %get3A_871 = tpu.vector_load %arg6[%get3A_868, %get3A_869, %get3A_870] {strides = array<i32>} : memref<16x1x128xi32, #tpu.memory_space<vmem>>, vector<16xi32>,
    %add3A_872 = arith.addi %add3A_865, %get3A_871 : vector<16xi32>
    %get3A_873 = arith.constant 4 : i32
    %get3A_874 = arith.constant 0 : i32
    %get3A_875 = arith.index_cast %get3A_873 : i32 to index
    %get3A_876 = arith.index_cast %get3A_874 : i32 to index
    %get3A_877 = arith.constant 112 : index
    %get3A_878 = tpu.vector_load %arg6[%get3A_875, %get3A_876, %get3A_877] {strides = array<i32>} : memref<16x1x128xi32, #tpu.memory_space<vmem>>, vector<16xi32>,
    %add3A_879 = arith.addi %add3A_872, %get3A_878 : vector<16xi32>
    %get3A_880 = arith.constant 5 : i32
    %get3A_881 = arith.constant 0 : i32
    %get3A_882 = arith.index_cast %get3A_880 : i32 to index
    %get3A_883 = arith.index_cast %get3A_881 : i32 to index
    %get3A_884 = arith.constant 112 : index
    %get3A_885 = tpu.vector_load %arg6[%get3A_882, %get3A_883, %get3A_884] {strides = array<i32>} : memref<16x1x128xi32, #tpu.memory_space<vmem>>, vector<16xi32>,
    %add3A_886 = arith.addi %add3A_879, %get3A_885 : vector<16xi32>
    %get3A_887 = arith.constant 6 : i32
    %get3A_888 = arith.constant 0 : i32
    %get3A_889 = arith.index_cast %get3A_887 : i32 to index
    %get3A_890 = arith.index_cast %get3A_888 : i32 to index
    %get3A_891 = arith.constant 112 : index
    %get3A_892 = tpu.vector_load %arg6[%get3A_889, %get3A_890, %get3A_891] {strides = array<i32>} : memref<16x1x128xi32, #tpu.memory_space<vmem>>, vector<16xi32>,
    %add3A_893 = arith.addi %add3A_886, %get3A_892 : vector<16xi32>
    %get3A_894 = arith.constant 7 : i32
    %get3A_895 = arith.constant 0 : i32
    %get3A_896 = arith.index_cast %get3A_894 : i32 to index
    %get3A_897 = arith.index_cast %get3A_895 : i32 to index
    %get3A_898 = arith.constant 112 : index
    %get3A_899 = tpu.vector_load %arg6[%get3A_896, %get3A_897, %get3A_898] {strides = array<i32>} : memref<16x1x128xi32, #tpu.memory_space<vmem>>, vector<16xi32>,
    %add3A_900 = arith.addi %add3A_893, %get3A_899 : vector<16xi32>
    %get3A_901 = arith.constant 8 : i32
    %get3A_902 = arith.constant 0 : i32
    %get3A_903 = arith.index_cast %get3A_901 : i32 to index
    %get3A_904 = arith.index_cast %get3A_902 : i32 to index
    %get3A_905 = arith.constant 112 : index
    %get3A_906 = tpu.vector_load %arg6[%get3A_903, %get3A_904, %get3A_905] {strides = array<i32>} : memref<16x1x128xi32, #tpu.memory_space<vmem>>, vector<16xi32>,
    %add3A_907 = arith.addi %add3A_900, %get3A_906 : vector<16xi32>
    %get3A_908 = arith.constant 9 : i32
    %get3A_909 = arith.constant 0 : i32
    %get3A_910 = arith.index_cast %get3A_908 : i32 to index
    %get3A_911 = arith.index_cast %get3A_909 : i32 to index
    %get3A_912 = arith.constant 112 : index
    %get3A_913 = tpu.vector_load %arg6[%get3A_910, %get3A_911, %get3A_912] {strides = array<i32>} : memref<16x1x128xi32, #tpu.memory_space<vmem>>, vector<16xi32>,
    %add3A_914 = arith.addi %add3A_907, %get3A_913 : vector<16xi32>
    %get3A_915 = arith.constant 10 : i32
    %get3A_916 = arith.constant 0 : i32
    %get3A_917 = arith.index_cast %get3A_915 : i32 to index
    %get3A_918 = arith.index_cast %get3A_916 : i32 to index
    %get3A_919 = arith.constant 112 : index
    %get3A_920 = tpu.vector_load %arg6[%get3A_917, %get3A_918, %get3A_919] {strides = array<i32>} : memref<16x1x128xi32, #tpu.memory_space<vmem>>, vector<16xi32>,
    %add3A_921 = arith.addi %add3A_914, %get3A_920 : vector<16xi32>
    %get3A_922 = arith.constant 11 : i32
    %get3A_923 = arith.constant 0 : i32
    %get3A_924 = arith.index_cast %get3A_922 : i32 to index
    %get3A_925 = arith.index_cast %get3A_923 : i32 to index
    %get3A_926 = arith.constant 112 : index
    %get3A_927 = tpu.vector_load %arg6[%get3A_924, %get3A_925, %get3A_926] {strides = array<i32>} : memref<16x1x128xi32, #tpu.memory_space<vmem>>, vector<16xi32>,
    %add3A_928 = arith.addi %add3A_921, %get3A_927 : vector<16xi32>
    %get3A_929 = arith.constant 12 : i32
    %get3A_930 = arith.constant 0 : i32
    %get3A_931 = arith.index_cast %get3A_929 : i32 to index
    %get3A_932 = arith.index_cast %get3A_930 : i32 to index
    %get3A_933 = arith.constant 112 : index
    %get3A_934 = tpu.vector_load %arg6[%get3A_931, %get3A_932, %get3A_933] {strides = array<i32>} : memref<16x1x128xi32, #tpu.memory_space<vmem>>, vector<16xi32>,
    %add3A_935 = arith.addi %add3A_928, %get3A_934 : vector<16xi32>
    %get3A_936 = arith.constant 13 : i32
    %get3A_937 = arith.constant 0 : i32
    %get3A_938 = arith.index_cast %get3A_936 : i32 to index
    %get3A_939 = arith.index_cast %get3A_937 : i32 to index
    %get3A_940 = arith.constant 112 : index
    %get3A_941 = tpu.vector_load %arg6[%get3A_938, %get3A_939, %get3A_940] {strides = array<i32>} : memref<16x1x128xi32, #tpu.memory_space<vmem>>, vector<16xi32>,
    %add3A_942 = arith.addi %add3A_935, %get3A_941 : vector<16xi32>
    %get3A_943 = arith.constant 14 : i32
    %get3A_944 = arith.constant 0 : i32
    %get3A_945 = arith.index_cast %get3A_943 : i32 to index
    %get3A_946 = arith.index_cast %get3A_944 : i32 to index
    %get3A_947 = arith.constant 112 : index
    %get3A_948 = tpu.vector_load %arg6[%get3A_945, %get3A_946, %get3A_947] {strides = array<i32>} : memref<16x1x128xi32, #tpu.memory_space<vmem>>, vector<16xi32>,
    %add3A_949 = arith.addi %add3A_942, %get3A_948 : vector<16xi32>
    %get3A_950 = arith.constant 15 : i32
    %get3A_951 = arith.constant 0 : i32
    %get3A_952 = arith.index_cast %get3A_950 : i32 to index
    %get3A_953 = arith.index_cast %get3A_951 : i32 to index
    %get3A_954 = arith.constant 112 : index
    %get3A_955 = tpu.vector_load %arg6[%get3A_952, %get3A_953, %get3A_954] {strides = array<i32>} : memref<16x1x128xi32, #tpu.memory_space<vmem>>, vector<16xi32>,
    %add3A_956 = arith.addi %add3A_949, %get3A_955 : vector<16xi32>
    %swap3A_957 = arith.constant 0 : i32
    %swap3A_958 = arith.index_cast %swap3A_957 : i32 to index
    %swap3A_959 = arith.constant 112 : index
    %swap3A_960 = tpu.vector_load %arg5[%swap3A_958, %swap3A_959] {strides = array<i32>} : memref<1x2048xi32, #tpu.memory_space<vmem>>, vector<16xi32>,
    tpu.vector_store %arg5[%swap3A_958, %swap3A_959], %add3A_956 {strides = array<i32>} : memref<1x2048xi32, #tpu.memory_space<vmem>>, vector<16xi32>,
    %mul3A_961 = arith.constant 128 : i32
    %mul3A_962 = arith.muli %arg1, %mul3A_961 : i32
    %run_scoped3A = arith.constant 0 : i32
    "tpu.region"() ({
      %run_scoped3A_963 = tpu.sem_alloc : memref<!tpu.dma_semaphore, #tpu.memory_space<semaphore_mem>>
      %dma_start3A = arith.constant 0 : i32
      %dma_start3A_964 = tpu.memref_slice %arg5[%run_scoped3A, %dma_start3A] : memref<1x2048xi32, #tpu.memory_space<vmem>> -> memref<1x128xi32, #tpu.memory_space<vmem>>
      %dma_start3A_965 = tpu.memref_squeeze %dma_start3A_964 : memref<1x128xi32, #tpu.memory_space<vmem>> -> memref<128xi32, #tpu.memory_space<vmem>>
      %dma_start3A_966 = tpu.memref_slice %arg3[%arg0, %mul3A_962] : memref<2x2048xi32, #tpu.memory_space<hbm>> -> memref<1x128xi32, #tpu.memory_space<hbm>>
      %dma_start3A_967 = tpu.memref_squeeze %dma_start3A_966 : memref<1x128xi32, #tpu.memory_space<hbm>> -> memref<128xi32, #tpu.memory_space<hbm>>
      %dma_start3A_968 = tpu.memref_slice %arg3[%arg0, %mul3A_962] : memref<2x2048xi32, #tpu.memory_space<hbm>> -> memref<1x128xi32, #tpu.memory_space<hbm>>
      %dma_start3A_969 = tpu.memref_squeeze %dma_start3A_968 : memref<1x128xi32, #tpu.memory_space<hbm>> -> memref<128xi32, #tpu.memory_space<hbm>>
      %dma_start3A_970 = arith.constant 0 : i32
      %dma_start3A_971 = tpu.memref_slice %arg5[%run_scoped3A, %dma_start3A_970] : memref<1x2048xi32, #tpu.memory_space<vmem>> -> memref<1x128xi32, #tpu.memory_space<vmem>>
      %dma_start3A_972 = tpu.memref_squeeze %dma_start3A_971 : memref<1x128xi32, #tpu.memory_space<vmem>> -> memref<128xi32, #tpu.memory_space<vmem>>
      tpu.enqueue_dma source(%dma_start3A_972 : memref<128xi32, #tpu.memory_space<vmem>>) target(%dma_start3A_969 : memref<128xi32, #tpu.memory_space<hbm>>) target_semaphore(%run_scoped3A_963 : memref<!tpu.dma_semaphore, #tpu.memory_space<semaphore_mem>>)
      %dma_wait3A = arith.constant 0 : i32
      %dma_wait3A_973 = tpu.memref_slice %arg5[%run_scoped3A, %dma_wait3A] : memref<1x2048xi32, #tpu.memory_space<vmem>> -> memref<1x128xi32, #tpu.memory_space<vmem>>
      %dma_wait3A_974 = tpu.memref_squeeze %dma_wait3A_973 : memref<1x128xi32, #tpu.memory_space<vmem>> -> memref<128xi32, #tpu.memory_space<vmem>>
      %dma_wait3A_975 = tpu.memref_slice %arg3[%arg0, %mul3A_962] : memref<2x2048xi32, #tpu.memory_space<hbm>> -> memref<1x128xi32, #tpu.memory_space<hbm>>
      %dma_wait3A_976 = tpu.memref_squeeze %dma_wait3A_975 : memref<1x128xi32, #tpu.memory_space<hbm>> -> memref<128xi32, #tpu.memory_space<hbm>>
      %dma_wait3A_977 = tpu.memref_slice %arg3[%arg0, %mul3A_962] : memref<2x2048xi32, #tpu.memory_space<hbm>> -> memref<1x128xi32, #tpu.memory_space<hbm>>
      %dma_wait3A_978 = tpu.memref_squeeze %dma_wait3A_977 : memref<1x128xi32, #tpu.memory_space<hbm>> -> memref<128xi32, #tpu.memory_space<hbm>>
      %dma_wait3A_979 = arith.constant 0 : i32
      %dma_wait3A_980 = tpu.memref_slice %arg5[%run_scoped3A, %dma_wait3A_979] : memref<1x2048xi32, #tpu.memory_space<vmem>> -> memref<1x128xi32, #tpu.memory_space<vmem>>
      %dma_wait3A_981 = tpu.memref_squeeze %dma_wait3A_980 : memref<1x128xi32, #tpu.memory_space<vmem>> -> memref<128xi32, #tpu.memory_space<vmem>>
      tpu.wait_dma2 semaphore(%run_scoped3A_963 : memref<!tpu.dma_semaphore, #tpu.memory_space<semaphore_mem>>) src(%dma_wait3A_981 : memref<128xi32, #tpu.memory_space<vmem>>) dst(%dma_wait3A_978 : memref<128xi32, #tpu.memory_space<hbm>>)
      tpu.yield
    }) : () -> ()
    return
  }
}

module attributes {stable_mosaic.version = 14 : i64} {
  func.func @_combine_block(%arg0: i32, %arg1: memref<1x512xi32, #tpu.memory_space<vmem>>, %arg2: memref<1x512xf32, #tpu.memory_space<vmem>>, %arg3: memref<2x512xi32, #tpu.memory_space<vmem>>, %arg4: memref<64x64x512xf32, #tpu.memory_space<vmem>>) attributes {dimension_semantics = [#tpu.dimension_semantics<arbitrary>], iteration_bounds = array<i64: 4>, scalar_prefetch = 0 : i64, scratch_operands = 0 : i64, tpu.core_type = #tpu.core_type<tc>, window_params = [{transform_indices = @transform_0, window_bounds = array<i64: 1, 512>}, {transform_indices = @transform_1, window_bounds = array<i64: 1, 512>}, {transform_indices = @transform_2, window_bounds = array<i64: 2, 512>}, {transform_indices = @transform_3, window_bounds = array<i64: 64, 64, 512>}]} {
    %get3A = arith.constant 0 : index
    %get3A_0 = arith.constant 0 : index
    %get3A_1 = vector.load %arg1[%get3A, %get3A_0] : memref<1x512xi32, #tpu.memory_space<vmem>>, vector<1x512xi32>
    %reshape3A = vector.shape_cast %get3A_1 : vector<1x512xi32> to vector<1x1x512xi32>
    %get3A_2 = arith.constant 0 : index
    %get3A_3 = arith.constant 0 : index
    %get3A_4 = vector.load %arg2[%get3A_2, %get3A_3] : memref<1x512xf32, #tpu.memory_space<vmem>>, vector<1x512xf32>
    %reshape3A_5 = vector.shape_cast %get3A_4 : vector<1x512xf32> to vector<1x1x512xf32>
    %get3A_6 = arith.constant 0 : index
    %get3A_7 = arith.constant 0 : index
    %get3A_8 = vector.load %arg3[%get3A_6, %get3A_7] : memref<2x512xi32, #tpu.memory_space<vmem>>, vector<2x512xi32>
    %slice3A = vector.extract_strided_slice %get3A_8 {offsets = [0, 0], sizes = [1, 512], strides = [1, 1]} : vector<2x512xi32> to vector<1x512xi32>
    %slice3A_9 = vector.extract_strided_slice %get3A_8 {offsets = [1, 0], sizes = [1, 512], strides = [1, 1]} : vector<2x512xi32> to vector<1x512xi32>
    %add3A = arith.addi %slice3A, %slice3A_9 : vector<1x512xi32>
    %sub3A = arith.constant 1 : i32
    %sub3A_10 = vector.broadcast %sub3A : i32 to vector<1x512xi32>
    %sub3A_11 = arith.subi %add3A, %sub3A_10 : vector<1x512xi32>
    %reshape3A_12 = vector.shape_cast %sub3A_11 : vector<1x512xi32> to vector<1x1x512xi32>
    %iota3A = tpu.iota {dimensions = array<i32: 0>} : vector<64x1x512xi32>
    %iota3A_13 = tpu.iota {dimensions = array<i32: 1>} : vector<1x64x512xi32>
    %eq3A = vector.broadcast %reshape3A : vector<1x1x512xi32> to vector<64x1x512xi32>
    %eq3A_14 = arith.cmpi eq, %iota3A, %eq3A : vector<64x1x512xi32>
    %eq3A_15 = vector.broadcast %reshape3A_12 : vector<1x1x512xi32> to vector<1x64x512xi32>
    %eq3A_16 = arith.cmpi eq, %iota3A_13, %eq3A_15 : vector<1x64x512xi32>
    %and3A = vector.broadcast %eq3A_14 : vector<64x1x512xi1> to vector<64x64x512xi1>
    %and3A_17 = vector.broadcast %eq3A_16 : vector<1x64x512xi1> to vector<64x64x512xi1>
    %and3A_18 = arith.andi %and3A, %and3A_17 : vector<64x64x512xi1>
    %jit3A = arith.constant 0.000000e+00 : f32
    %broadcast_in_dim3A = vector.shape_cast %reshape3A_5 : vector<1x1x512xf32> to vector<1x1x512xf32>
    %broadcast_in_dim3A_19 = vector.broadcast %broadcast_in_dim3A : vector<1x1x512xf32> to vector<64x64x512xf32>
    %broadcast_in_dim3A_20 = vector.broadcast %jit3A : f32 to vector<64x64x512xf32>
    %select_n3A = arith.select %and3A_18, %broadcast_in_dim3A_19, %broadcast_in_dim3A_20 : vector<64x64x512xi1>, vector<64x64x512xf32>
    %swap3A = arith.constant 0 : index
    %swap3A_21 = arith.constant 0 : index
    %swap3A_22 = arith.constant 0 : index
    %swap3A_23 = vector.load %arg4[%swap3A, %swap3A_21, %swap3A_22] : memref<64x64x512xf32, #tpu.memory_space<vmem>>, vector<64x64x512xf32>
    tpu.vector_store %arg4[%swap3A, %swap3A_21, %swap3A_22], %select_n3A {strides = array<i32>} : memref<64x64x512xf32, #tpu.memory_space<vmem>>, vector<64x64x512xf32>,
    return
  }
  func.func @transform_0(%arg0: i32) -> (i32, i32) {
    %c0_i32 = arith.constant 0 : i32
    %c0_i32_0 = arith.constant 0 : i32
    return %c0_i32, %arg0 : i32, i32
  }
  func.func @transform_1(%arg0: i32) -> (i32, i32) {
    %c0_i32 = arith.constant 0 : i32
    %c0_i32_0 = arith.constant 0 : i32
    return %c0_i32, %arg0 : i32, i32
  }
  func.func @transform_2(%arg0: i32) -> (i32, i32) {
    %c0_i32 = arith.constant 0 : i32
    %c0_i32_0 = arith.constant 0 : i32
    return %c0_i32, %arg0 : i32, i32
  }
  func.func @transform_3(%arg0: i32) -> (i32, i32, i32) {
    %c0_i32 = arith.constant 0 : i32
    %c0_i32_0 = arith.constant 0 : i32
    %c0_i32_1 = arith.constant 0 : i32
    return %c0_i32, %c0_i32_0, %arg0 : i32, i32, i32
  }
}

module attributes {stable_mosaic.version = 14 : i64} {
  func.func @_route_block(%arg0: i32, %arg1: memref<512x4096xf32, #tpu.memory_space<vmem>>, %arg2: memref<64x4096xf32, #tpu.memory_space<vmem>>, %arg3: memref<1x512xi32, #tpu.memory_space<vmem>>, %arg4: memref<1x512xf32, #tpu.memory_space<vmem>>) attributes {dimension_semantics = [#tpu.dimension_semantics<arbitrary>], iteration_bounds = array<i64: 4>, scalar_prefetch = 0 : i64, scratch_operands = 0 : i64, tpu.core_type = #tpu.core_type<tc>, window_params = [{transform_indices = @transform_0, window_bounds = array<i64: 512, 4096>}, {pipeline_mode = #tpu.pipeline_mode<synchronous>, transform_indices = @transform_1, window_bounds = array<i64: 64, 4096>}, {transform_indices = @transform_2, window_bounds = array<i64: 1, 512>}, {transform_indices = @transform_3, window_bounds = array<i64: 1, 512>}]} {
    %get3A = arith.constant 0 : index
    %get3A_0 = arith.constant 0 : index
    %get3A_1 = vector.load %arg1[%get3A, %get3A_0] : memref<512x4096xf32, #tpu.memory_space<vmem>>, vector<512x4096xf32>
    %get3A_2 = arith.constant 0 : index
    %get3A_3 = arith.constant 0 : index
    %get3A_4 = vector.load %arg2[%get3A_2, %get3A_3] : memref<64x4096xf32, #tpu.memory_space<vmem>>, vector<64x4096xf32>
    %dot_general3A = arith.constant dense<0.000000e+00> : vector<64x512xf32>
    %dot_general3A_5 = tpu.matmul %get3A_4, %get3A_1, %dot_general3A {dimension_numbers = #tpu.dot_dimension_numbers<[1], [1], [0], [0], [0, 0, 1, 0], [], []>, transpose_lhs_hint = false} : vector<64x4096xf32>, vector<512x4096xf32>, vector<64x512xf32> -> vector<64x512xf32>
    %reduce_max3A = arith.constant dense<0xFF800000> : vector<512xf32>
    %reduce_max3A_6 = vector.multi_reduction <maximumf>, %dot_general3A_5, %reduce_max3A [0] : vector<64x512xf32> to vector<512xf32>
    %broadcast_in_dim3A = vector.shape_cast %reduce_max3A_6 : vector<512xf32> to vector<1x512xf32>
    %sub3A = vector.broadcast %broadcast_in_dim3A : vector<1x512xf32> to vector<64x512xf32>
    %sub3A_7 = arith.subf %dot_general3A_5, %sub3A : vector<64x512xf32>
    %exp3A = math.exp %sub3A_7 : vector<64x512xf32>
    %reduce_sum3A = arith.constant dense<0.000000e+00> : vector<512xf32>
    %reduce_sum3A_8 = vector.multi_reduction <add>, %exp3A, %reduce_sum3A [0] : vector<64x512xf32> to vector<512xf32>
    %broadcast_in_dim3A_9 = vector.shape_cast %reduce_sum3A_8 : vector<512xf32> to vector<1x512xf32>
    %div3A = arith.constant 1.000000e+00 : f32
    %div3A_10 = vector.broadcast %div3A : f32 to vector<1x512xf32>
    %div3A_11 = arith.divf %div3A_10, %broadcast_in_dim3A_9 : vector<1x512xf32>
    %swap3A = arith.constant 0 : index
    %swap3A_12 = arith.constant 0 : index
    %swap3A_13 = vector.load %arg4[%swap3A, %swap3A_12] : memref<1x512xf32, #tpu.memory_space<vmem>>, vector<1x512xf32>
    tpu.vector_store %arg4[%swap3A, %swap3A_12], %div3A_11 {strides = array<i32>} : memref<1x512xf32, #tpu.memory_space<vmem>>, vector<1x512xf32>,
    %eq3A = vector.broadcast %broadcast_in_dim3A : vector<1x512xf32> to vector<64x512xf32>
    %eq3A_14 = arith.cmpf oeq, %dot_general3A_5, %eq3A : vector<64x512xf32>
    %convert_element_type3A = arith.extui %eq3A_14 : vector<64x512xi1> to vector<64x512xi32>
    %convert_element_type3A_15 = arith.sitofp %convert_element_type3A : vector<64x512xi32> to vector<64x512xf32>
    %iota3A = tpu.iota {dimensions = array<i32: 0>} : vector<64x64xi32>
    %iota3A_16 = tpu.iota {dimensions = array<i32: 1>} : vector<64x64xi32>
    %le3A = arith.cmpi sle, %iota3A_16, %iota3A : vector<64x64xi32>
    %convert_element_type3A_17 = arith.extui %le3A : vector<64x64xi1> to vector<64x64xi32>
    %convert_element_type3A_18 = arith.sitofp %convert_element_type3A_17 : vector<64x64xi32> to vector<64x64xf32>
    %dot_general3A_19 = arith.constant dense<0.000000e+00> : vector<64x512xf32>
    %dot_general3A_20 = tpu.matmul %convert_element_type3A_18, %convert_element_type3A_15, %dot_general3A_19 {dimension_numbers = #tpu.dot_dimension_numbers<[1], [0], [0], [1], [0, 0, 1, 1], [], []>, transpose_lhs_hint = false} : vector<64x64xf32>, vector<64x512xf32>, vector<64x512xf32> -> vector<64x512xf32>
    %eq3A_21 = arith.constant 1.000000e+00 : f32
    %eq3A_22 = vector.broadcast %eq3A_21 : f32 to vector<64x512xf32>
    %eq3A_23 = arith.cmpf oeq, %dot_general3A_20, %eq3A_22 : vector<64x512xf32>
    %convert_element_type3A_24 = arith.extui %eq3A_23 : vector<64x512xi1> to vector<64x512xi32>
    %convert_element_type3A_25 = arith.sitofp %convert_element_type3A_24 : vector<64x512xi32> to vector<64x512xf32>
    %mul3A = arith.mulf %convert_element_type3A_15, %convert_element_type3A_25 : vector<64x512xf32>
    %iota3A_26 = tpu.iota {dimensions = array<i32: 0>} : vector<64x512xi32>
    %ne3A = arith.constant 0.000000e+00 : f32
    %ne3A_27 = vector.broadcast %ne3A : f32 to vector<64x512xf32>
    %ne3A_28 = arith.cmpf one, %mul3A, %ne3A_27 : vector<64x512xf32>
    %jit3A = arith.constant 0 : i32
    %broadcast_in_dim3A_29 = vector.broadcast %jit3A : i32 to vector<64x512xi32>
    %select_n3A = arith.select %ne3A_28, %iota3A_26, %broadcast_in_dim3A_29 : vector<64x512xi1>, vector<64x512xi32>
    %reduce_sum3A_30 = arith.constant dense<0> : vector<512xi32>
    %reduce_sum3A_31 = vector.multi_reduction <add>, %select_n3A, %reduce_sum3A_30 [0] : vector<64x512xi32> to vector<512xi32>
    %broadcast_in_dim3A_32 = vector.shape_cast %reduce_sum3A_31 : vector<512xi32> to vector<1x512xi32>
    %swap3A_33 = arith.constant 0 : index
    %swap3A_34 = arith.constant 0 : index
    %swap3A_35 = vector.load %arg3[%swap3A_33, %swap3A_34] : memref<1x512xi32, #tpu.memory_space<vmem>>, vector<1x512xi32>
    tpu.vector_store %arg3[%swap3A_33, %swap3A_34], %broadcast_in_dim3A_32 {strides = array<i32>} : memref<1x512xi32, #tpu.memory_space<vmem>>, vector<1x512xi32>,
    return
  }
  func.func @transform_0(%arg0: i32) -> (i32, i32) {
    %c0_i32 = arith.constant 0 : i32
    %c0_i32_0 = arith.constant 0 : i32
    return %arg0, %c0_i32 : i32, i32
  }
  func.func @transform_1(%arg0: i32) -> (i32, i32) {
    %c0_i32 = arith.constant 0 : i32
    %c0_i32_0 = arith.constant 0 : i32
    %c0_i32_1 = arith.constant 0 : i32
    return %c0_i32, %c0_i32_0 : i32, i32
  }
  func.func @transform_2(%arg0: i32) -> (i32, i32) {
    %c0_i32 = arith.constant 0 : i32
    %c0_i32_0 = arith.constant 0 : i32
    return %c0_i32, %arg0 : i32, i32
  }
  func.func @transform_3(%arg0: i32) -> (i32, i32) {
    %c0_i32 = arith.constant 0 : i32
    %c0_i32_0 = arith.constant 0 : i32
    return %c0_i32, %arg0 : i32, i32
  }
}

</mosaic_0001>

<sc_bundles>
// kernel: kernel.5.cloned.1.call-start
scs
__scs_entry_jumppad:
0x0: {  	(pc) =	sbr.rel $0x88, $3  }
0x1: {  	(tag) =	ssettag $0x0;
	lr =	simm.s32 $0x1  }
0x2: {  	[smem:$0x3F9F] =	sst lr;
	_ =	strace $0xD0000000  }
0x3: {  	_ = 	snop  }
0x4: {  	_ = 	snop  }
0x5: {  	_ = 	snop  }
0x6: {  	_ = 	snop  }
0x7: {  	_ = 	snop  }
__scs_overlays_trampoline_lowered:
0x8: {  	[smem:$0x3FAE] =	sst s0  }
0x9: {  	[smem:$0x3FAF] =	sst s1  }
0xa: {  	[smem:$0x3FB0] =	sst s2  }
0xb: {  	[smem:$0x3FB1] =	sst s3  }
0xc: {  	[smem:$0x3FB2] =	sst s4  }
0xd: {  	[smem:$0x3FB3] =	sst s5  }
0xe: {  	[smem:$0x3FB4] =	sst s6  }
0xf: {  	[smem:$0x3FB5] =	sst s7  }
0x10: {  	[smem:$0x3FB6] =	sst s8  }
0x11: {  	[smem:$0x3FB7] =	sst s9;
	s0 =	simm.s32 @!p0 $0x0  }
0x12: {  	s1 =	sld [smem:$0x3F9D];
	s0 =	simm.s32 @p0 $0x1  }
0x13: {  	[smem:$0x3FB8] =	sst s0;
	s0 =	simm.s32 @!p1 $0x0  }
0x14: {  	s2 =	sld [smem:$0x3F9C];
	s0 =	simm.s32 @p1 $0x1  }
0x15: {  	[smem:$0x3FB9] =	sst s0;
	s0 =	simm.s32 @!p2 $0x0  }
0x16: {  	s3 =	sld [smem:$0x3FDB];
	s0 =	simm.s32 @p2 $0x1  }
0x17: {  	s4 =	simm.s32 $0x1BF5;
	[smem:$0x3FBB] =	sst s0  }
0x18: {  	s0 =	sld [smem:$0x3F9E];
	_ =	swait.ge [sflag:s4], $0x0  }
0x19: {  	s7 =	sld [smem:$0x3F9F]  }
0x1a: {  	s8 =	sadd.s32 $0xFFFFE003, lr  }
0x1b: {  	s9 =	sadd.s32 $0xFFFFFEF7, lr;
	s5 =	simm.s32 $0xFFFFFFFF;
	p2 =	slt.u32 s8, $0xFFFFF086  }
0x1c: {  	p1 =	slt.u32 s9, $0xF7A;
	s5 =	simm.s32 @!p2 $0x0  }
0x1d: {  	s5 =	simm.s32 @p1 $0x1;
	p0 =	seq.s32 s7, s2  }
0x1e: {  	s7 =	smul.u32 @!p0 $0xF7A, s2;
	p2 =	seq.s32 @!p0 s5, $0x0  }
0x1f: {  	s9 =	smul.u32 $0xF7A, s1;
	s8 =	simm.s32 @!p0 $0x1BF5;
	p2 =	por !p2, p0  }
0x20: {  	[sflag:s8] =	ssyncset.s32 @!p0 $0xFFFFF086;
	s6 =	sadd.s32 @!p0 s3, s7;
	s7 =	simm.s32 @!p0 $0x108  }
0x21: {  	s3 =	sadd.s32 s3, s9;
	s6 =	sadd.s32 @!p0 $0x88, s6;
	s7 =	simm.s32 @p2 $0x1082  }
0x22: {  	[simem:s7], [sflag:s8] =	dma.local @!p0 [hbm:s6], $0xF7A  }
0x23: {  	s9 =	sor.u32 $0xD0000000, s2;
	s6 =	simm.s32 $0x108;
	_ =	swait.ge @!p0 [sflag:s8], $0x0  }
0x24: {  	s3 =	sadd.s32 $0x88, s3;
	s6 =	simm.s32 @!p1 $0x1082;
	[sflag:s4] =	ssyncset.s32 $0xFFFFF086  }
0x25: {  	[simem:s6], [sflag:s4] =	dma.local [hbm:s3], $0xF7A  }
0x26: {  	[smem:$0x3F9F] =	sst s1;
	(tag) =	ssettag s2;
	_ =	strace s9  }
0x27: {  	s1 =	sld [smem:$0x3FAF]  }
0x28: {  	s2 =	sld [smem:$0x3FB0]  }
0x29: {  	s4 =	sld [smem:$0x3FB2]  }
0x2a: {  	p0 =	seq.s32 s5, $0x0;
	s5 =	sld [smem:$0x3FB3]  }
0x2b: {  	s6 =	sld [smem:$0x3FB4]  }
0x2c: {  	s7 =	sld [smem:$0x3FB5]  }
0x2d: {  	s3 =	simm.s32 $0x108;
	s8 =	sld [smem:$0x3FB6]  }
0x2e: {  	s3 =	simm.s32 @!p0 $0x1082;
	s9 =	sld [smem:$0x3FB7]  }
0x2f: {  	lr =	sadd.s32 s0, s3;
	s0 =	sld [smem:$0x3FAE]  }
0x30: {  	s3 =	sld [smem:$0x3FB1]  }
0x31: {  	[smem:$0x3FBA] =	sst s10  }
0x32: {  	s10 =	sld [smem:$0x3FB8];
	_ =	sdelay $0x3  }
0x33: {  	p0 =	seq.s32 s10, $0x1;
	s10 =	sld [smem:$0x3FBA];
	_ =	sdelay $0x3  }
0x34: {  	[smem:$0x3FBA] =	sst s10  }
0x35: {  	s10 =	sld [smem:$0x3FB9];
	_ =	sdelay $0x3  }
0x36: {  	p1 =	seq.s32 s10, $0x1;
	s10 =	sld [smem:$0x3FBA];
	_ =	sdelay $0x3  }
0x37: {  	[smem:$0x3FBA] =	sst s10  }
0x38: {  	s10 =	sld [smem:$0x3FBB]  }
0x39: {  	_ = 	snop;
	(pc) =	sbr.ind lr, $3  }
0x3a: {  	_ = 	snop  }
0x3b: {  	_ = 	snop  }
0x3c: {  	p2 =	seq.s32 s10, $0x1;
	s10 =	sld [smem:$0x3FBA]  }
0x3d: {  	_ =	shalt  }
0x3e: {  	_ =	shalt  }
0x3f: {  	_ =	shalt  }
0x40: {  	_ =	shalt  }
0x41: {  	_ =	shalt  }
0x42: {  	_ =	shalt  }
0x43: {  	_ =	shalt  }
0x44: {  	_ =	shalt  }
0x45: {  	_ =	shalt  }
0x46: {  	_ =	shalt  }
0x47: {  	_ =	shalt  }
0x48: {  	_ =	shalt  }
0x49: {  	_ =	shalt  }
0x4a: {  	_ =	shalt  }
0x4b: {  	_ =	shalt  }
0x4c: {  	_ =	shalt  }
0x4d: {  	_ =	shalt  }
0x4e: {  	_ =	shalt  }
0x4f: {  	_ =	shalt  }
0x50: {  	_ =	shalt  }
0x51: {  	_ =	shalt  }
0x52: {  	_ =	shalt  }
0x53: {  	_ =	shalt  }
0x54: {  	_ =	shalt  }
0x55: {  	_ =	shalt  }
0x56: {  	_ =	shalt  }
0x57: {  	_ =	shalt  }
0x58: {  	_ =	shalt  }
0x59: {  	_ =	shalt  }
0x5a: {  	_ =	shalt  }
0x5b: {  	_ =	shalt  }
0x5c: {  	_ =	shalt  }
0x5d: {  	_ =	shalt  }
0x5e: {  	_ =	shalt  }
0x5f: {  	_ =	shalt  }
0x60: {  	_ =	shalt  }
0x61: {  	_ =	shalt  }
0x62: {  	_ =	shalt  }
0x63: {  	_ =	shalt  }
0x64: {  	_ =	shalt  }
0x65: {  	_ =	shalt  }
0x66: {  	_ =	shalt  }
0x67: {  	_ =	shalt  }
0x68: {  	_ =	shalt  }
0x69: {  	_ =	shalt  }
0x6a: {  	_ =	shalt  }
0x6b: {  	_ =	shalt  }
0x6c: {  	_ =	shalt  }
0x6d: {  	_ =	shalt  }
0x6e: {  	_ =	shalt  }
0x6f: {  	_ =	shalt  }
0x70: {  	_ =	shalt  }
0x71: {  	_ =	shalt  }
0x72: {  	_ =	shalt  }
0x73: {  	_ =	shalt  }
0x74: {  	_ =	shalt  }
0x75: {  	_ =	shalt  }
0x76: {  	_ =	shalt  }
0x77: {  	_ =	shalt  }
0x78: {  	_ =	shalt  }
0x79: {  	_ =	shalt  }
0x7a: {  	_ =	shalt  }
0x7b: {  	_ =	shalt  }
0x7c: {  	_ =	shalt  }
0x7d: {  	_ =	shalt  }
0x7e: {  	_ =	shalt  }
0x7f: {  	_ =	shalt  }
0x80: {  	_ =	shalt  }
0x81: {  	_ =	shalt  }
0x82: {  	_ =	shalt  }
0x83: {  	_ =	shalt  }
0x84: {  	_ =	shalt  }
0x85: {  	_ =	shalt  }
0x86: {  	_ =	shalt  }
0x87: {  	_ =	shalt  }
.Lfunc_end0:
.L_simem_size_0:
called_computation_lowered:
.L_overlay_start_0:
0x88: {  	s2 =	sld [smem:$0x3FD9]  }
0x89: {  	s3 =	sld [smem:$0x3FFE];
	_ =	sdelay $0x1  }
0x8a: {  	s1 =	srdreg.scid  }
0x8b: {  	s0 =	sand.u32 $0x1, s1  }
0x8c: {  	s14 =	sshll.u32 s0, $0xA;
	s2 =	sadd.s32 s3, s2  }
0x8d: {  	s2 =	sadd.s32 s2, s14  }
0x8e: {  	[smem:$0x3FC6] =	sst s2  }
0x8f: {  	_ = 	snop  }
0x90: {  	s2 =	sld [smem:$0x3FD0];
	_ =	sdelay $0x2  }
0x91: {  	s15 =	simm.s32 $0xA;
	s4 =	simm.s32 $0x10  }
0x92: {  	[smem:s4], [sflag:s15] =	dma.local [hbm:s2], $0x1  }
0x93: {  	_ =	swait.eq [sflag:s15], $0x1  }
0x94: {  	[sflag:s15] =	ssyncset.done $0x0  }
0x95: {  	[sflag:s15] =	ssyncadd.s32 $0xFFFFFFFF  }
0x96: {  	s16 =	sld [smem:$0x10];
	(tm) =	ssettm $0x1  }
0x97: {  	s17 =	sld [smem:$0x3FFB];
	_ =	sdelay $0x3  }
0x98: {  	_ =	strace s17  }
0x99: {  	s3 =	sld [smem:$0x3FFC];
	_ =	sdelay $0x3  }
0x9a: {  	_ =	strace s3  }
0x9b: {  	s3 =	sld [smem:$0x3FFD];
	_ =	sdelay $0x3  }
0x9c: {  	_ =	strace s3  }
0x9d: {  	_ =	strace $0x8FFFFFFF  }
0x9e: {  	s18 =	sld [smem:$0x3FDB];
	_ =	sdelay $0x1  }
0x9f: {  	s19 =	simm.s32 $_scs_section_size  }
0xa0: {  	s5 =	simm.s32 $_size__tile_overlayer_lowered;
	s6 =	simm.s32 $_tile_overlayer_lowered  }
0xa1: {  	s22 =	simm.s32 $0x1BFF;
	s21 =	sshll.u32 s6, $0x1;
	s3 =	sadd.s32 s19, s18  }
0xa2: {  	s7 =	simm.s32 $0x0;
	s20 =	sshll.u32 s5, $0x1;
	s5 =	sadd.s32 s21, s3  }
0xa3: {  	[timem:s7], [sflag:s22] =	dma.local [hbm:s5], s20  }
0xa4: {  	_ =	swait.ge [sflag:s22], s20  }
0xa5: {  	s4 =	ssub.s32 $0x0, s20;
	[sflag:s22] =	ssyncset.done $0x0  }
0xa6: {  	[sflag:s22] =	ssyncadd.s32 s4;
	_ =	sdelay $0x1  }
0xa7: {  	s23 =	simm.s32 $0x1B8B  }
0xa8: {  	_ =	swait.ge [sflag:s23], $0x1  }
0xa9: {  	[sflag:s23] =	ssyncset.done $0x0  }
0xaa: {  	s25 =	simm.s32 $0x1B8E;
	s24 =	sld [smem:$0x3FFE];
	[sflag:s23] =	ssyncadd.s32 $0xFFFFFFFF  }
0xab: {  	s26 =	simm.s32 $execute0_lowered;
	[smem:$0x3FD2] =	sst s25  }
0xac: {  	s5 =	sshll.u32 s26, $0x1;
	_ =	strace $0x80000046;
	[dreg:$0x1] =	wrdreg $0xFFFFFFFF  }
0xad: {  	s28 =	simm.s32 $_size_execute0_lowered;
	s3 =	sadd.s32 s3, s5;
	[dreg:$0x0] =	wrdreg $0x0  }
0xae: {  	s5 =	sshll.u32 s28, $0x1;
	[dreg:$0x2] =	wrdreg s3  }
0xaf: {  	[dreg:$0x3] =	wrdreg s5  }
0xb0: {  	[dreg:$0x4] =	wrdreg $0xC0  }
0xb1: {  	_ =	task [dreg:s7], $0x5FFFF  }
0xb2: {  	[dreg:$0x1] =	wrdreg $0xFFFFFFFF  }
0xb3: {  	[dreg:$0x0] =	wrdreg $0x60  }
0xb4: {  	[dreg:$0x2] =	wrdreg s24  }
0xb5: {  	[dreg:$0x3] =	wrdreg s16  }
0xb6: {  	[dreg:$0x4] =	wrdreg $0x18000  }
0xb7: {  	[dreg:$0x5] =	wrdreg $0x9  }
0xb8: {  	_ =	task.clear_ibuf [dreg:s7], $0x6FFFF;
	_ =	strace $0x90000046  }
0xb9: {  	s29 =	simm.s32 $0x9;
	_ =	strace $0x80000048  }
0xba: {  	_ =	swait.ge [sflag:s29], $0x1  }
0xbb: {  	[sflag:s29] =	ssyncadd.s32 $0xFFFFFFFF  }
0xbc: {  	_ =	strace $0x90000048  }
0xbd: {  	_ =	sfence  }
0xbe: {  	s30 =	sld [smem:$0x0];
	_ =	sdelay $0x2  }
0xbf: {  	s31 =	sshll.u32 s1, $0xD;
	s1 =	sshrl.u32 s1, $0x2  }
0xc0: {  	s3 =	sand.u32 $0x4000, s31;
	s1 =	sadd.s32 s1, s30  }
0xc1: {  	s0 =	sor.u32 s3, s0;
	s1 =	sshll.u32 s1, $0x11  }
0xc2: {  	s0 =	sor.u32 s1, s0  }
0xc3: {  	s0 =	sadd.s32 $0x8F2B, s0  }
0xc4: {  	[sflag:s0] =	ssyncadd.remote.s32 $0x1  }
0xc5: {  	_ =	sfence.sel $0xFFFF  }
0xc6: {  	[dreg:$0x0] =	wrdreg $0xFFFFFFFF;
	(pc) =	sbr.abs _section_cstart, $3  }
0xc7: {  	[dreg:$0x1] =	wrdreg $0xFFFFFFFF  }
0xc8: {  	_ =	task.clear_ibuf [dreg:s7], $0x2FFFF;
	_ =	strace $0x9FFFFFFF  }
0xc9: {  	(tm) =	ssettm $0x7FFFFFFF  }
tec
execute0_lowered:
.L_overlay_start_1:
0x0: {  	(tag) =	ssettag $0x1  }
0x1: {  	s3 =	rddreg [dreg:$0x0]  }
0x2: {  	s4 =	rddreg [dreg:$0x1]  }
0x3: {  	s5 =	rddreg [dreg:$0x2]  }
0x4: {  	s0 =	rddreg [dreg:$0x3];
	s1 =	simm.s32 $0x0;
	s2 =	srdreg.scid  }
0x5: {  	[smem:$0x7FF] =	sst s1;
	s6 =	sand.u32 $0x1, s2  }
0x6: {  	s2 =	stileid.u32;
	s3 =	sadd.s32 $0xE00, s3;
	_ =	strace $0x80000047  }
0x7: {  	s7 =	ssub.s32 $0x2, s6;
	s9 =	sshll.u32 s6, $0x5;
	s10 =	sshll.u32 s2, $0x1  }
0x8: {  	s31 =	sshll.u32 s2, $0xB;
	s6 =	sshll.u32 s6, $0x4;
	s11 =	sshll.u32 s2, $0x7  }
0x9: {  	s12 =	sshll.u32 s2, $0x5;
	s8 =	sshrl.u32 s7, $0x1;
	s30 =	sor.u32 s10, s9  }
0xa: {  	s6 =	sadd.s32 s4, s6;
	s4 =	sadd.s32 s31, s5;
	s5 =	sadd.s32 s11, s5  }
0xb: {  	s9 =	simm.s32 $0x800;
	s11 =	simm.s32 $0x1000;
	s7 =	ssub.s32 s7, s8  }
0xc: {  	v2 =	vimm.s32 $0x0;
	s10 =	sor.u32 $0x1, s30;
	s6 =	sadd.s32 s12, s6;
	s8 =	simm.s32 $0x1  }
0xd: {  	v3 =	vlaneseq.u32;
	v0 =	vmov s30;
	s12 =	simm.s32 $0x0;
	s7 =	smax.u32 s7, $0x1;
	v1 =	vmov s10;
	s10 =	simm.s32 $0x80  }
.LBB2_1:
0xe: {  	[tilespmem:s1], [sflag:$0x1] =	stream.linear.gather [hbm4b:s3+s1], $0x800, $0x38;
	[tilespmem:$0x2000] =	vst v63  }
0xf: {  	_ =	swait.ge [sflag:s8], $0x800  }
0x10: {  	[sflag:s8] =	ssyncset.done $0x0  }
0x11: {  	s13 =	simm.s32 $0x40;
	s14 =	simm.s32 $0x0;
	v4 =	vimm.s32 $0x0;
	[sflag:s8] =	ssyncadd.s32 $0xFFFFF800  }
.LBB2_2:
0x12: {  	p0 =	sne.s32 s13, $0x1FC0;
	[tilespmem:s14+$0x800] =	vst v4;
	s14 =	smov.u32 s13;
	s13 =	sadd.s32 $0x40, s13  }
.Ltmp0:
0x13: {  	(pc) =	sbr.rel @p0 .LBB2_2-.Ltmp0, $2  }
0x14: {  	_ =	sdelay $0x2  }
0x15: {  	v4 =	vimm.s32 $0x0;
	s14 =	sshra.s32 s14, $0x2  }
0x16: {  	[tilespmem:s14+$0x800] =	vst v4;
	s13 =	simm.s32 $0x0  }
0x17: {  	s15 =	simm.s32 $0x10;
	v6 =	vimm.s32 $0x0;
	s14 =	simm.s32 $0x0;
	v5 =	vimm.s32 $0x0;
	s16 =	simm.s32 $0x0;
	v7 =	vld [tilespmem:s13+$0x0]  }
.LBB2_4:
0x18: {  	p0 =	sne.s32 s15, $0x7F0;
	_ =	sdelay $0x3  }
0x19: {  	vm0 =	veq.s32 v7, v0  }
0x1a: {  	v7 =	vsel vm0, $0x1, v2;
	v8 =	vmpcnt.ones.xlane vm0  }
0x1b: {  	(xrf0) =	vadd.scan.msk.s32 $0xffff, v7  }
0x1c: {  	v6 =	vadd.s32 v6, v8;
	_ =	sdelay $0x1  }
0x1d: {  	v7 =	vor.u32 s14, v3;
	s14 =	smov.u32 s15;
	_ =	sdelay $0x1  }
.Ltmp1:
0x1e: {  	(pc) =	sbr.rel @p0 .LBB2_4-.Ltmp1, $4  }
0x1f: {  	v8, _, _ =	vpop (xrf0)  }
0x20: {  	v8 =	vadd.s32 v5, v8;
	v5 =	vmov v6  }
0x21: {  	s16 =	sadd.s32 $0x10, s16;
	[tilespmem:v7+s9+$0x0] =	vst.idx.msk vm0, v8  }
0x22: {  	s15 =	sadd.s32 $0x10, s15;
	v7 =	vld [tilespmem:s16+$0x0]  }
0x23: {  	_ =	sdelay $0x3  }
0x24: {  	vm0 =	veq.s32 v7, v0  }
0x25: {  	v6 =	vsel vm0, $0x1, v2  }
0x26: {  	(xrf0) =	vadd.scan.msk.s32 $0xffff, v6;
	_ =	sdelay $0x2  }
0x27: {  	v6 =	vor.u32 s14, v3;
	_ =	sdelay $0x2  }
0x28: {  	v7, _, _ =	vpop (xrf0)  }
0x29: {  	v5 =	vadd.s32 v5, v7  }
0x2a: {  	[tilespmem:v6+s9+$0x0] =	vst.idx.msk vm0, v5  }
0x2b: {  	s15 =	simm.s32 $0x0;
	s14 =	simm.s32 $0x10;
	v5 =	vimm.s32 $0x0;
	v6 =	vld [tilespmem:s13+$0x0]  }
.LBB2_6:
0x2c: {  	p0 =	sne.s32 s14, $0x7F0;
	_ =	sdelay $0x3  }
0x2d: {  	vm0 =	veq.s32 v6, v1  }
0x2e: {  	v6 =	vsel vm0, $0x1, v2;
	v7 =	vmpcnt.ones.xlane vm0  }
0x2f: {  	(xrf0) =	vadd.scan.msk.s32 $0xffff, v6  }
0x30: {  	v4 =	vadd.s32 v4, v7;
	_ =	sdelay $0x1  }
0x31: {  	v6 =	vor.u32 s13, v3;
	s13 =	smov.u32 s14;
	_ =	sdelay $0x1  }
.Ltmp2:
0x32: {  	(pc) =	sbr.rel @p0 .LBB2_6-.Ltmp2, $4  }
0x33: {  	v7, _, _ =	vpop (xrf0)  }
0x34: {  	v7 =	vadd.s32 v5, v7;
	v5 =	vmov v4  }
0x35: {  	s15 =	sadd.s32 $0x10, s15;
	[tilespmem:v6+s9+$0x0] =	vst.idx.msk vm0, v7  }
0x36: {  	s14 =	sadd.s32 $0x10, s14;
	v6 =	vld [tilespmem:s15+$0x0]  }
0x37: {  	_ =	sdelay $0x3  }
0x38: {  	vm0 =	veq.s32 v6, v1  }
0x39: {  	v4 =	vsel vm0, $0x1, v2  }
0x3a: {  	(xrf0) =	vadd.scan.msk.s32 $0xffff, v4;
	_ =	sdelay $0x2  }
0x3b: {  	v4 =	vor.u32 s13, v3;
	_ =	sdelay $0x2  }
0x3c: {  	v23, _, _ =	vpop (xrf0)  }
0x3d: {  	v5 =	vadd.s32 v5, v23  }
0x3e: {  	[tilespmem:v4+s9+$0x0] =	vst.idx.msk vm0, v5  }
0x3f: {  	[spmem:s4] =	stream.linear.scatter [tilespmem:s9], [sflag:$0x1], $0x800, $0x38;
	[tilespmem:$0x2000] =	vst v63  }
0x40: {  	_ =	swait.ge [sflag:s8], $0x800  }
0x41: {  	[sflag:s8] =	ssyncset.done $0x0  }
0x42: {  	[sflag:s8] =	ssyncadd.s32 $0xFFFFF800  }
0x43: {  	[bflag:$0x0] =	sbarrier.arrive $0xFFFF  }
0x44: {  	[tilespmem:s11], [sflag:$0x1] =	stream.strided.gather [spmem:s5], $0x800, s9, s10, $0x38;
	[tilespmem:$0x2000] =	vst v63  }
0x45: {  	_ =	swait.ge [sflag:s8], $0x800  }
0x46: {  	[sflag:s8] =	ssyncset.done $0x0  }
0x47: {  	[sflag:s8] =	ssyncadd.s32 $0xFFFFF800  }
0x48: {  	v11 =	vld [tilespmem:$0x1000]  }
0x49: {  	v10 =	vld [tilespmem:$0x1080]  }
0x4a: {  	v12 =	vld [tilespmem:$0x1100]  }
0x4b: {  	v14 =	vld [tilespmem:$0x1180]  }
0x4c: {  	v15 =	vld [tilespmem:$0x1200]  }
0x4d: {  	v17 =	vld [tilespmem:$0x1280]  }
0x4e: {  	v19 =	vld [tilespmem:$0x1300]  }
0x4f: {  	v20 =	vld [tilespmem:$0x1380]  }
0x50: {  	v22 =	vld [tilespmem:$0x1400]  }
0x51: {  	v43 =	vld [tilespmem:$0x1480]  }
0x52: {  	v45 =	vld [tilespmem:$0x1500]  }
0x53: {  	v48 =	vld [tilespmem:$0x1580]  }
0x54: {  	v51 =	vld [tilespmem:$0x1600]  }
0x55: {  	v4 =	vld [tilespmem:$0x1680]  }
0x56: {  	v23 =	vld [tilespmem:$0x1010]  }
0x57: {  	v24 =	vld [tilespmem:$0x1090]  }
0x58: {  	v25 =	vld [tilespmem:$0x1110]  }
0x59: {  	v26 =	vld [tilespmem:$0x1190]  }
0x5a: {  	v27 =	vld [tilespmem:$0x1210]  }
0x5b: {  	v28 =	vld [tilespmem:$0x1290]  }
0x5c: {  	v29 =	vld [tilespmem:$0x1310]  }
0x5d: {  	v30 =	vld [tilespmem:$0x1390]  }
0x5e: {  	v31 =	vld [tilespmem:$0x1410]  }
0x5f: {  	v32 =	vld [tilespmem:$0x1490]  }
0x60: {  	v33 =	vld [tilespmem:$0x1510]  }
0x61: {  	v34 =	vld [tilespmem:$0x1590]  }
0x62: {  	v35 =	vld [tilespmem:$0x1610]  }
0x63: {  	v36 =	vld [tilespmem:$0x1690]  }
0x64: {  	v37 =	vld [tilespmem:$0x1710]  }
0x65: {  	v44 =	vld [tilespmem:$0x1790]  }
0x66: {  	v39 =	vld [tilespmem:$0x1020]  }
0x67: {  	v40 =	vld [tilespmem:$0x10A0]  }
0x68: {  	v41 =	vld [tilespmem:$0x1120]  }
0x69: {  	v42 =	vld [tilespmem:$0x11A0]  }
0x6a: {  	v47 =	vld [tilespmem:$0x1220]  }
0x6b: {  	v50 =	vld [tilespmem:$0x12A0]  }
0x6c: {  	v52 =	vld [tilespmem:$0x1030]  }
0x6d: {  	[tilespmem:$0x1FE40] =	vst v4;
	v4 =	vld [tilespmem:$0x1700]  }
0x6e: {  	v53 =	vld [tilespmem:$0x10B0]  }
0x6f: {  	v54 =	vld [tilespmem:$0x1130]  }
0x70: {  	v55 =	vld [tilespmem:$0x11B0]  }
0x71: {  	v56 =	vld [tilespmem:$0x1230]  }
0x72: {  	[tilespmem:$0x1FE50] =	vst v4;
	v4 =	vld [tilespmem:$0x1780]  }
0x73: {  	v57 =	vld [tilespmem:$0x12B0]  }
0x74: {  	v58 =	vld [tilespmem:$0x1330]  }
0x75: {  	v59 =	vld [tilespmem:$0x13B0]  }
0x76: {  	v60 =	vld [tilespmem:$0x1430]  }
0x77: {  	[tilespmem:$0x1FE60] =	vst v4;
	v4 =	vld [tilespmem:$0x1320]  }
0x78: {  	v61 =	vld [tilespmem:$0x14B0]  }
0x79: {  	v5 =	vld [tilespmem:$0x1040]  }
0x7a: {  	v6 =	vld [tilespmem:$0x1140]  }
0x7b: {  	v7 =	vld [tilespmem:$0x11C0]  }
0x7c: {  	[tilespmem:$0x1FE70] =	vst v4;
	v4 =	vld [tilespmem:$0x13A0]  }
0x7d: {  	v8 =	vld [tilespmem:$0x1240]  }
0x7e: {  	v9 =	vld [tilespmem:$0x12C0]  }
0x7f: {  	v13 =	vld [tilespmem:$0x1340]  }
0x80: {  	v16 =	vld [tilespmem:$0x13C0]  }
0x81: {  	[tilespmem:$0x1FE80] =	vst v4;
	v4 =	vld [tilespmem:$0x1420]  }
0x82: {  	v18 =	vld [tilespmem:$0x1440]  }
0x83: {  	v21 =	vld [tilespmem:$0x14C0]  }
0x84: {  	v38 =	vld [tilespmem:$0x1540]  }
0x85: {  	v62 =	vld [tilespmem:$0x1740]  }
0x86: {  	[tilespmem:$0x1FE90] =	vst v4;
	v4 =	vld [tilespmem:$0x14A0]  }
0x87: {  	v46 =	vld [tilespmem:$0x15C0]  }
0x88: {  	v49 =	vld [tilespmem:$0x1640]  }
0x89: {  	v63 =	vld [tilespmem:$0x16C0]  }
0x8a: {  	[tilespmem:$0x1FF70] =	vst v62;
	v62 =	vld [tilespmem:$0x17C0]  }
0x8b: {  	[tilespmem:$0x1FEA0] =	vst v4;
	v4 =	vld [tilespmem:$0x1520]  }
0x8c: {  	v10 =	vadd.s32 v11, v10;
	v11 =	vld [tilespmem:$0x13D0]  }
0x8d: {  	v24 =	vadd.s32 v23, v24;
	v23 =	vld [tilespmem:$0x1450]  }
0x8e: {  	v10 =	vadd.s32 v12, v10;
	v12 =	vadd.s32 v25, v24;
	v24 =	vld [tilespmem:$0x14D0]  }
0x8f: {  	v25 =	vld [tilespmem:$0x1550]  }
0x90: {  	[tilespmem:$0x1FEB0] =	vst v4;
	v4 =	vld [tilespmem:$0x15A0]  }
0x91: {  	v10 =	vadd.s32 v14, v10;
	v12 =	vadd.s32 v26, v12;
	v26 =	vld [tilespmem:$0x10E0]  }
0x92: {  	v10 =	vadd.s32 v15, v10;
	v15 =	vld [tilespmem:$0x16D0]  }
0x93: {  	v12 =	vadd.s32 v27, v12;
	v10 =	vadd.s32 v17, v10;
	v17 =	vld [tilespmem:$0x15D0]  }
0x94: {  	v12 =	vadd.s32 v28, v12;
	v28 =	vld [tilespmem:$0x11E0]  }
0x95: {  	[tilespmem:$0x1FEC0] =	vst v4;
	v4 =	vld [tilespmem:$0x1620]  }
0x96: {  	[tilespmem:$0x1FFA0] =	vst v62;
	v62 =	vld [tilespmem:$0x1050]  }
0x97: {  	v27 =	vadd.s32 v19, v10;
	v10 =	vld [tilespmem:$0x1650]  }
0x98: {  	v14 =	vadd.s32 v20, v27;
	v27 =	vld [tilespmem:$0x1160]  }
0x99: {  	v12 =	vadd.s32 v29, v12;
	v29 =	vadd.s32 v22, v14;
	v14 =	vld [tilespmem:$0x1750]  }
0x9a: {  	v12 =	vadd.s32 v30, v12;
	[tilespmem:$0x1FEE0] =	vst v4;
	v4 =	vld [tilespmem:$0x16A0]  }
0x9b: {  	v31 =	vadd.s32 v31, v12;
	v12 =	vld [tilespmem:$0x17D0]  }
0x9c: {  	v22 =	vld [tilespmem:$0x1060]  }
0x9d: {  	v20 =	vadd.s32 v32, v31;
	v32 =	vld [tilespmem:$0x1FE40]  }
0x9e: {  	v19 =	vadd.s32 v43, v29;
	v29 =	vld [tilespmem:$0x1260]  }
0x9f: {  	[tilespmem:$0x1FF00] =	vst v4;
	v4 =	vld [tilespmem:$0x1720]  }
0xa0: {  	v31 =	vld [tilespmem:$0x12E0]  }
0xa1: {  	[tilespmem:$0x1FF80] =	vst v62;
	v62 =	vld [tilespmem:$0x10D0]  }
0xa2: {  	v19 =	vadd.s32 v45, v19;
	v20 =	vadd.s32 v33, v20;
	v33 =	vld [tilespmem:$0x1FE50]  }
0xa3: {  	v19 =	vadd.s32 v48, v19;
	v48 =	vld [tilespmem:$0x1070]  }
0xa4: {  	[tilespmem:$0x1FF20] =	vst v4;
	v4 =	vld [tilespmem:$0x17A0]  }
0xa5: {  	v20 =	vadd.s32 v34, v20;
	v34 =	vld [tilespmem:$0x1FE60]  }
0xa6: {  	v19 =	vadd.s32 v51, v19;
	v20 =	vadd.s32 v35, v20;
	[tilespmem:$0x1FF90] =	vst v62;
	v62 =	vld [tilespmem:$0x1150]  }
0xa7: {  	v20 =	vadd.s32 v36, v20;
	v36 =	vadd.s32 v52, v53;
	v52 =	vld [tilespmem:$0x10F0];
	v19 =	vadd.s32 v32, v19  }
0xa8: {  	v19 =	vadd.s32 v33, v19;
	v33 =	vld [tilespmem:$0x1360]  }
0xa9: {  	v32 =	vadd.s32 v54, v36;
	[tilespmem:$0x1FF40] =	vst v4;
	v4 =	vld [tilespmem:$0x1530]  }
0xaa: {  	v32 =	vadd.s32 v55, v32;
	v55 =	vld [tilespmem:$0x1170]  }
0xab: {  	v32 =	vadd.s32 v56, v32;
	[tilespmem:$0x1FFB0] =	vst v62;
	v62 =	vld [tilespmem:$0x11D0]  }
0xac: {  	v20 =	vadd.s32 v37, v20;
	v37 =	vld [tilespmem:$0x1FE70];
	v32 =	vadd.s32 v57, v32  }
0xad: {  	v32 =	vadd.s32 v58, v32;
	v58 =	vld [tilespmem:$0x11F0]  }
0xae: {  	v32 =	vadd.s32 v59, v32;
	[tilespmem:$0x1FED0] =	vst v4;
	v4 =	vld [tilespmem:$0x15B0]  }
0xaf: {  	v32 =	vadd.s32 v60, v32;
	v60 =	vld [tilespmem:$0x1FF70]  }
0xb0: {  	v22 =	vadd.s32 v22, v26;
	v48 =	vadd.s32 v48, v52;
	[tilespmem:$0x1FFC0] =	vst v62;
	v62 =	vld [tilespmem:$0x1250]  }
0xb1: {  	v22 =	vadd.s32 v27, v22;
	v27 =	vadd.s32 v55, v48;
	v55 =	vld [tilespmem:$0x14F0]  }
0xb2: {  	v32 =	vadd.s32 v61, v32;
	v61 =	vld [tilespmem:$0x1FF80]  }
0xb3: {  	[tilespmem:$0x1FEF0] =	vst v4;
	v4 =	vld [tilespmem:$0x1630]  }
0xb4: {  	v35 =	vadd.s32 v39, v40;
	v39 =	vld [tilespmem:$0x1FE80]  }
0xb5: {  	[tilespmem:$0x1FFD0] =	vst v62;
	v62 =	vld [tilespmem:$0x12D0]  }
0xb6: {  	v27 =	vadd.s32 v58, v27;
	v58 =	vld [tilespmem:$0x15F0]  }
0xb7: {  	v40 =	vld [tilespmem:$0x1FE90]  }
0xb8: {  	[tilespmem:$0x1FF10] =	vst v4;
	v4 =	vld [tilespmem:$0x16B0]  }
0xb9: {  	v30 =	vadd.s32 v41, v35;
	v41 =	vld [tilespmem:$0x1FEA0]  }
0xba: {  	[tilespmem:$0x1FFE0] =	vst v62;
	v62 =	vld [tilespmem:$0x1350]  }
0xbb: {  	v30 =	vadd.s32 v42, v30;
	v42 =	vld [tilespmem:$0x1FEB0]  }
0xbc: {  	v30 =	vadd.s32 v47, v30;
	v52 =	vld [tilespmem:$0x1FFE0]  }
0xbd: {  	v30 =	vadd.s32 v50, v30;
	[tilespmem:$0x1FF30] =	vst v4;
	v4 =	vld [tilespmem:$0x1730]  }
0xbe: {  	v30 =	vadd.s32 v37, v30;
	v43 =	vld [tilespmem:$0x1FEC0]  }
0xbf: {  	v30 =	vadd.s32 v39, v30;
	v45 =	vld [tilespmem:$0x1FEE0]  }
0xc0: {  	v30 =	vadd.s32 v40, v30;
	v50 =	vld [tilespmem:$0x1FF00]  }
0xc1: {  	v30 =	vadd.s32 v41, v30;
	[tilespmem:$0x1FFF0] =	vst v62;
	v62 =	vld [tilespmem:$0x1FF90]  }
0xc2: {  	v30 =	vadd.s32 v42, v30;
	[tilespmem:$0x1FF50] =	vst v4;
	v4 =	vld [tilespmem:$0x17B0]  }
0xc3: {  	v30 =	vadd.s32 v43, v30;
	v53 =	vld [tilespmem:$0x1FF20]  }
0xc4: {  	v30 =	vadd.s32 v45, v30;
	v45 =	vld [tilespmem:$0x1FFB0]  }
0xc5: {  	v30 =	vadd.s32 v50, v30;
	v50 =	vld [tilespmem:$0x1FFD0]  }
0xc6: {  	v56 =	vld [tilespmem:$0x1FF40]  }
0xc7: {  	[tilespmem:$0x1FF60] =	vst v4;
	v4 =	vld [tilespmem:$0x10C0]  }
0xc8: {  	v30 =	vadd.s32 v53, v30;
	v53 =	vld [tilespmem:$0x1470]  }
0xc9: {  	v20 =	vadd.s32 v44, v20;
	v44 =	vld [tilespmem:$0x1FED0]  }
0xca: {  	v47 =	vld [tilespmem:$0x1FEF0]  }
0xcb: {  	v51 =	vld [tilespmem:$0x1FF10]  }
0xcc: {  	v30 =	vadd.s32 v56, v30;
	v56 =	vld [tilespmem:$0x1570];
	v4 =	vadd.s32 v5, v4  }
0xcd: {  	v54 =	vld [tilespmem:$0x1FF30];
	v4 =	vadd.s32 v6, v4  }
0xce: {  	v32 =	vadd.s32 v44, v32;
	v44 =	vld [tilespmem:$0x1FFA0];
	v4 =	vadd.s32 v7, v4  }
0xcf: {  	v32 =	vadd.s32 v47, v32;
	v47 =	vld [tilespmem:$0x1FFC0];
	v4 =	vadd.s32 v8, v4  }
0xd0: {  	v32 =	vadd.s32 v51, v32;
	v51 =	vld [tilespmem:$0x13F0];
	v4 =	vadd.s32 v9, v4  }
0xd1: {  	v57 =	vld [tilespmem:$0x1FF50];
	v4 =	vadd.s32 v13, v4  }
0xd2: {  	v32 =	vadd.s32 v54, v32;
	v54 =	vld [tilespmem:$0x1FFF0];
	v4 =	vadd.s32 v16, v4  }
0xd3: {  	v59 =	vld [tilespmem:$0x1FF60];
	v4 =	vadd.s32 v18, v4  }
0xd4: {  	v5 =	vld [tilespmem:$0x13E0];
	v4 =	vadd.s32 v21, v4  }
0xd5: {  	v6 =	vld [tilespmem:$0x1460];
	v4 =	vadd.s32 v38, v4  }
0xd6: {  	v7 =	vld [tilespmem:$0x14E0];
	v4 =	vadd.s32 v46, v4  }
0xd7: {  	v8 =	vld [tilespmem:$0x1560];
	v4 =	vadd.s32 v49, v4  }
0xd8: {  	v38 =	vadd.s32 v61, v62;
	v4 =	vadd.s32 v63, v4;
	v63 =	vld [tilespmem:$0x1270]  }
0xd9: {  	v22 =	vadd.s32 v28, v22;
	v38 =	vadd.s32 v45, v38;
	v46 =	vld [tilespmem:$0x12F0]  }
0xda: {  	v22 =	vadd.s32 v29, v22;
	v19 =	vadd.s32 v34, v19;
	v38 =	vadd.s32 v47, v38;
	v49 =	vld [tilespmem:$0x1370]  }
0xdb: {  	v22 =	vadd.s32 v31, v22;
	v32 =	vadd.s32 v57, v32;
	v9 =	vld [tilespmem:$0x15E0];
	v35 =	vadd.s32 v50, v38  }
0xdc: {  	v22 =	vadd.s32 v33, v22;
	v32 =	vadd.s32 v59, v32;
	v13 =	vld [tilespmem:$0x1660];
	v35 =	vadd.s32 v52, v35  }
0xdd: {  	v5 =	vadd.s32 v5, v22;
	v16 =	vld [tilespmem:$0x16E0];
	v35 =	vadd.s32 v54, v35;
	v27 =	vadd.s32 v63, v27  }
0xde: {  	v5 =	vadd.s32 v6, v5;
	v18 =	vld [tilespmem:$0x1760];
	v11 =	vadd.s32 v11, v35;
	v26 =	vadd.s32 v46, v27  }
0xdf: {  	v5 =	vadd.s32 v7, v5;
	v21 =	vld [tilespmem:$0x17E0];
	v11 =	vadd.s32 v23, v11;
	v57 =	vadd.s32 v49, v26  }
0xe0: {  	v4 =	vadd.s32 v60, v4;
	v60 =	vld [tilespmem:$0x1670];
	v11 =	vadd.s32 v24, v11;
	v59 =	vadd.s32 v51, v57  }
0xe1: {  	v5 =	vadd.s32 v8, v5;
	v61 =	vld [tilespmem:$0x16F0];
	v11 =	vadd.s32 v25, v11;
	v6 =	vadd.s32 v53, v59  }
0xe2: {  	[tilespmem:$0x810] =	vst v20;
	v62 =	vld [tilespmem:$0x1770];
	v5 =	vadd.s32 v9, v5;
	v11 =	vadd.s32 v17, v11;
	v6 =	vadd.s32 v55, v6  }
0xe3: {  	[tilespmem:$0x800] =	vst v19;
	v5 =	vadd.s32 v13, v5;
	v63 =	vld [tilespmem:$0x17F0];
	v10 =	vadd.s32 v10, v11;
	v6 =	vadd.s32 v56, v6  }
0xe4: {  	[tilespmem:$0x820] =	vst v30;
	v5 =	vadd.s32 v16, v5;
	v10 =	vadd.s32 v15, v10;
	v6 =	vadd.s32 v58, v6  }
0xe5: {  	[tilespmem:$0x830] =	vst v32;
	v4 =	vadd.s32 v44, v4;
	v10 =	vadd.s32 v14, v10;
	v6 =	vadd.s32 v60, v6  }
0xe6: {  	v5 =	vadd.s32 v18, v5;
	[tilespmem:$0x840] =	vst v4;
	v4 =	vadd.s32 v12, v10;
	v6 =	vadd.s32 v61, v6  }
0xe7: {  	s12 =	sadd.s32 $0x1, s12;
	[tilespmem:$0x850] =	vst v4;
	v4 =	vadd.s32 v21, v5;
	v5 =	vadd.s32 v62, v6  }
0xe8: {  	p0 =	sne.s32 s12, s7;
	[tilespmem:$0x860] =	vst v4;
	v4 =	vadd.s32 v63, v5  }
.Ltmp3:
0xe9: {  	[tilespmem:$0x870] =	vst v4;
	(pc) =	sbr.rel @p0 .LBB2_1-.Ltmp3, $4  }
0xea: {  	[hbm4b:s6+s1] =	stream.linear.scatter [tilespmem:s9], [sflag:$0x1], $0x80, $0x38;
	[tilespmem:$0x2000] =	vst v63  }
0xeb: {  	_ =	swait.ge [sflag:s8], $0x80  }
0xec: {  	[sflag:s8] =	ssyncset.done $0x0  }
0xed: {  	[sflag:s8] =	ssyncadd.s32 $0xFFFFFF80  }
0xee: {  	_ =	sfence.sel $0x180000  }
0xef: {  	[bflag:$0x0] =	sbarrier.arrive $0xFFFF  }
0xf0: {  	p0 =	sne.s32 s2, $0x0;
	_ =	strace $0x90000047  }
0xf1: {  	s0 =	sadd.s32 @!p0 $0x100000, s0;
	[bflag:$0x2] =	sbarrier.arrive $0xFFFF  }
0xf2: {  	[sflag:s0] =	ssyncadd.tile.s32 @!p0 $0x1;
	_ =	shalt  }
.Lfunc_end2:
_tile_overlayer_lowered:
.L_overlay_start_2:
0xf3: {  	(tag) =	ssettag $0x2  }
0xf4: {  	s0 =	rddreg [dreg:$0x0];
	s2 =	stileid.u32  }
0xf5: {  	s1 =	rddreg [dreg:$0x1];
	p0 =	sne.s32 s2, $0x0  }
0xf6: {  	s3 =	rddreg [dreg:$0x2];
	[bflag:$0x3] =	sbarrier.arrive $0xFFFF;
	s2 =	simm.s32 @!p0 $0x1C01  }
0xf7: {  	[timem:s3], [sflag:s2] =	dma.local @!p0 [hbm:s0], s1  }
0xf8: {  	s0 =	simm.s32 @!p0 $0x1  }
0xf9: {  	_ =	swait.ge @!p0 [sflag:s0], s1  }
0xfa: {  	s1 =	ssub.s32 @!p0 $0x0, s1;
	[sflag:s0] =	ssyncset.done @!p0 $0x0  }
0xfb: {  	[sflag:s0] =	ssyncadd.s32 @!p0 s1  }
0xfc: {  	[bflag:$0x3] =	sbarrier.arrive $0xFFFF  }
0xfd: {  	_ =	shalt  }

</sc_bundles>
